<compile_context>
chip_gen: v7x
topology: tpu7x:2x2x1
jax: 0.10.2.dev20260603
libtpu: 0.0.44.dev20260713+nightly
codegen_flags: <defaults>
</compile_context>

<pallas_src>
import jax
import jax.numpy as jnp
from jax import lax
from jax.experimental import pallas as pl
from jax.experimental.pallas import tpu as pltpu
from jax.experimental.pallas import tpu_sc as plsc

N, F, V, D = 16384, 26, 1000000, 16
NC, NS = 2, 16
NW = NC * NS
ROWS_PER_W = N // NW
GROUP = 64
NGROUPS = ROWS_PER_W // GROUP
IDX_PER_G = GROUP * F
CHI = 128
NCHUNK = IDX_PER_G // CHI


FP = 32


def _sc_body(fi8_hbm, fi_hbm, fv_hbm, fvp_hbm, emb_hbm, fo_hbm,
             y2_hbm, yf_hbm,
             idx8_v, idx_v, fvv, fvp, rows_v, fo_v, y2_v, yf_v, sem):
    wid = lax.axis_index("s") * NC + lax.axis_index("c")
    row0 = wid * ROWS_PER_W

    pltpu.sync_copy(fi8_hbm.at[pl.ds(row0 * F, ROWS_PER_W * F)], idx8_v)
    pltpu.sync_copy(fi_hbm.at[pl.ds(row0 * F, ROWS_PER_W * F)], idx_v)
    pltpu.sync_copy(fv_hbm.at[pl.ds(row0 * F, ROWS_PER_W * F)], fvv)
    pltpu.sync_copy(fvp_hbm.at[pl.ds(row0 * FP, ROWS_PER_W * FP)], fvp)

    def group_body(g, carry):
        gb = g * IDX_PER_G
        handles = []
        for j in range(NCHUNK):
            sl = pl.ds(j * CHI, CHI)
            gsl = pl.ds(gb + j * CHI, CHI)
            handles.append(pltpu.async_copy(
                emb_hbm.at[idx8_v.at[gsl]], rows_v.at[sl], sem))
            handles.append(pltpu.async_copy(
                fo_hbm.at[idx_v.at[gsl]], fo_v.at[sl], sem))
        for h in handles:
            h.wait()

        def yf_body(j, c):
            yf_v[pl.ds(gb + j * 16, 16)] = (
                fo_v[pl.ds(j * 16, 16)] * fvv[pl.ds(gb + j * 16, 16)])
            return c
        lax.fori_loop(0, IDX_PER_G // 16, yf_body, 0)

        def row_body(r, c):
            rb = r * F
            rp = g * (GROUP * FP) + r * FP
            va = fvp[pl.ds(rp, 16)]
            vb = fvp[pl.ds(rp + 16, 16)]
            s = jnp.zeros((16,), jnp.float32)
            q = jnp.zeros((16,), jnp.float32)
            for f in range(F):
                a = va[f] if f < 16 else vb[f - 16]
                e = rows_v[rb + f, :] * a
                s = s + e
                q = q + e * e
            y2_v[g * GROUP + r, :] = 0.5 * (s * s - q)
            return c
        lax.fori_loop(0, GROUP, row_body, 0)
        return carry

    lax.fori_loop(0, NGROUPS, group_body, 0)
    pltpu.sync_copy(y2_v, y2_hbm.at[pl.ds(row0, ROWS_PER_W)])
    pltpu.sync_copy(yf_v, yf_hbm.at[pl.ds(row0 * F, ROWS_PER_W * F)])


def _sc_pooling(fi8_flat, fi_flat, fv_flat, fvp_flat, emb_table, fo_flat):
    mesh = plsc.VectorSubcoreMesh(core_axis_name="c", subcore_axis_name="s")
    return pl.kernel(
        _sc_body,
        mesh=mesh,
        compiler_params=pltpu.CompilerParams(use_tc_tiling_on_sc=False),
        out_type=[
            jax.ShapeDtypeStruct((N, D), jnp.float32),
            jax.ShapeDtypeStruct((N * F,), jnp.float32),
        ],
        scratch_types=[
            pltpu.VMEM((ROWS_PER_W * F,), jnp.int32),
            pltpu.VMEM((ROWS_PER_W * F,), jnp.int32),
            pltpu.VMEM((ROWS_PER_W * F,), jnp.float32),
            pltpu.VMEM((ROWS_PER_W * FP,), jnp.float32),
            pltpu.VMEM((IDX_PER_G, D), jnp.float32),
            pltpu.VMEM((IDX_PER_G,), jnp.float32),
            pltpu.VMEM((ROWS_PER_W, D), jnp.float32),
            pltpu.VMEM((ROWS_PER_W * F,), jnp.float32),
            pltpu.SemaphoreType.DMA,
        ],
    )(fi8_flat, fi_flat, fv_flat, fvp_flat, emb_table, fo_flat)


REPACK_C = 8192


def _repack_body(a_ref, fo_ref, o_ref, o2_ref):
    o_ref[:, 0:16] = jnp.swapaxes(a_ref[...], 0, 1)
    o2_ref[...] = fo_ref[...].reshape(REPACK_C)


def _repack_table(emb_t, fo_t):
    grid = (pl.cdiv(V, REPACK_C),)
    return pl.pallas_call(
        _repack_body,
        grid=grid,
        in_specs=[pl.BlockSpec((D, REPACK_C), lambda i: (0, i)),
                  pl.BlockSpec((1, REPACK_C), lambda i: (0, i))],
        out_specs=[pl.BlockSpec((REPACK_C, 128), lambda i: (i, 0)),
                   pl.BlockSpec((REPACK_C,), lambda i: (i,))],
        out_shape=[jax.ShapeDtypeStruct((V, 128), jnp.float32),
                   jax.ShapeDtypeStruct((V,), jnp.float32)],
    )(emb_t, fo_t)


BLK = 2048


def _mlp_body(y2_ref, yf_ref, w0_ref, b0_ref, w1_ref, b1_ref, wout_ref,
              bc_ref, o_ref):
    y2 = y2_ref[...]
    h0 = jnp.maximum(
        jnp.dot(y2, w0_ref[...], preferred_element_type=jnp.float32)
        + b0_ref[...], 0.0)
    h1 = jnp.maximum(
        jnp.dot(h0, w1_ref[...], preferred_element_type=jnp.float32)
        + b1_ref[...], 0.0)
    yd = jnp.dot(h1, wout_ref[...], preferred_element_type=jnp.float32)
    o_ref[...] = yf_ref[...] + (yd + bc_ref[...])


def _mlp_combine(y2, yf2d, W0, b0, W1, b1, Wout, bc):
    grid = (N // BLK,)
    return pl.pallas_call(
        _mlp_body,
        grid=grid,
        in_specs=[
            pl.BlockSpec((BLK, D), lambda i: (i, 0)),
            pl.BlockSpec((BLK, F), lambda i: (i, 0)),
            pl.BlockSpec((D, 64), lambda i: (0, 0)),
            pl.BlockSpec((1, 64), lambda i: (0, 0)),
            pl.BlockSpec((64, 32), lambda i: (0, 0)),
            pl.BlockSpec((1, 32), lambda i: (0, 0)),
            pl.BlockSpec((32, 1), lambda i: (0, 0)),
            pl.BlockSpec((1, 1), lambda i: (0, 0)),
        ],
        out_specs=pl.BlockSpec((BLK, F), lambda i: (i, 0)),
        out_shape=jax.ShapeDtypeStruct((N, F), jnp.float32),
    )(y2, yf2d, W0, b0, W1, b1, Wout, bc)


def kernel(feature_index, feature_value, label, emb_table, fo_table, bias,
           W0, b0, W1, b1, Wout, bout):
    fi_flat = feature_index.reshape(-1).astype(jnp.int32)
    fi8_flat = fi_flat * 8
    fv_flat = feature_value.reshape(-1)
    fvp_flat = jnp.pad(feature_value, ((0, 0), (0, FP - F))).reshape(-1)
    emb_pad, fo_flat = _repack_table(emb_table.T, fo_table.T)
    y2, yf = _sc_pooling(fi8_flat, fi_flat, fv_flat, fvp_flat,
                         emb_pad.reshape(8 * V, D), fo_flat)
    bc = (bias + bout).reshape(1, 1)
    out = _mlp_combine(y2, yf.reshape(N, F), W0, b0.reshape(1, -1),
                       W1, b1.reshape(1, -1), Wout, bc)
    return out

# --- scband reference (transcript-rebuilt; emitter-appended) ---
"""Pipeline reference for scband-nfm-21749714387195 (READ-ONLY COPY).

The authoritative reference and input builder live on the scoring server;
editing this copy changes nothing except your own understanding.
"""

import jax, jax.numpy as jnp
import numpy as np

N, F, V, D = 16384, 26, 1000000, 16
H = [64, 32]

def setup_inputs(seed: int = 0) -> dict:
    key = jax.random.key(seed)
    ks = jax.random.split(key, 12)
    feature_index = jax.random.randint(ks[0], (N, F), 0, V, dtype=jnp.int64 if jax.config.jax_enable_x64 else jnp.int32)
    feature_value = jax.random.uniform(ks[1], (N, F), dtype=jnp.float32)
    label = jax.random.uniform(ks[2], (N, 1), dtype=jnp.float32)
    emb_table = jax.random.normal(ks[3], (V, D), dtype=jnp.float32) * 0.01
    fo_table = jax.random.normal(ks[4], (V, 1), dtype=jnp.float32) * 0.01
    bias = jax.random.uniform(ks[5], (1,), dtype=jnp.float32)
    W0 = jax.random.normal(ks[6], (D, H[0]), dtype=jnp.float32) * (1.0 / np.sqrt(D))
    b0 = jnp.zeros((H[0],), dtype=jnp.float32)
    W1 = jax.random.normal(ks[7], (H[0], H[1]), dtype=jnp.float32) * (1.0 / np.sqrt(H[0]))
    b1 = jnp.zeros((H[1],), dtype=jnp.float32)
    Wout = jax.random.normal(ks[8], (H[1], 1), dtype=jnp.float32) * (1.0 / np.sqrt(H[1]))
    bout = jnp.zeros((1,), dtype=jnp.float32)
    return {"feature_index": feature_index, "feature_value": feature_value, "label": label,
            "emb_table": emb_table, "fo_table": fo_table, "bias": bias,
            "W0": W0, "b0": b0, "W1": W1, "b1": b1, "Wout": Wout, "bout": bout}

def reference(feature_index, feature_value, label, emb_table, fo_table, bias, W0, b0, W1, b1, Wout, bout):
    # embedding lookup (gather) for second-order embeddings and first-order weights
    fv = feature_value.reshape(-1, F, 1)
    embeddings = jnp.take(emb_table, feature_index, axis=0) * fv  # [N, F, D]
    first_order_weights = jnp.take(fo_table, feature_index, axis=0)  # [N, F, 1]
    y_first = jnp.sum(first_order_weights * fv, axis=2)  # [N, F]
    # Bi-Interaction pooling (FM second order)
    summed_feature_emb_square = jnp.sum(embeddings, axis=1) ** 2  # [N, D]
    square_feature_emb_sum = jnp.sum(embeddings ** 2, axis=1)     # [N, D]
    y_second = 0.5 * (summed_feature_emb_square - square_feature_emb_sum)  # [N, D]
    # Deep layers (dropout = identity in inference mode)
    y_deep = jax.nn.relu(y_second @ W0 + b0)
    y_deep = jax.nn.relu(y_deep @ W1 + b1)
    y_deep = y_deep @ Wout + bout  # [N, 1]
    y_output = y_first + y_deep + bias  # broadcasts to [N, F]
    return y_output

if __name__ == "__main__":
    import jax
    _d = setup_inputs()
    print(jax.jit(kernel)(*tuple(_d.values())))

</pallas_src>

<mosaic_0001>
#map = affine_map<(d0, d1) -> (0)>
#map1 = affine_map<(d0, d1) -> (0, 0)>
module attributes {stable_mosaic.version = 14 : i64} {
  func.func @_sc_body(%arg0: i32, %arg1: i32, %arg2: memref<425984xi32, #tpu.memory_space<hbm>>, %arg3: memref<425984xi32, #tpu.memory_space<hbm>>, %arg4: memref<425984xf32, #tpu.memory_space<hbm>>, %arg5: memref<524288xf32, #tpu.memory_space<hbm>>, %arg6: memref<8000000x16xf32, #tpu.memory_space<hbm>>, %arg7: memref<1000000xf32, #tpu.memory_space<hbm>>, %arg8: memref<16384x16xf32, #tpu.memory_space<hbm>>, %arg9: memref<425984xf32, #tpu.memory_space<hbm>>, %arg10: memref<13312xi32, #tpu.memory_space<vmem>>, %arg11: memref<13312xi32, #tpu.memory_space<vmem>>, %arg12: memref<13312xf32, #tpu.memory_space<vmem>>, %arg13: memref<16384xf32, #tpu.memory_space<vmem>>, %arg14: memref<1664x16xf32, #tpu.memory_space<vmem>>, %arg15: memref<1664xf32, #tpu.memory_space<vmem>>, %arg16: memref<512x16xf32, #tpu.memory_space<vmem>>, %arg17: memref<13312xf32, #tpu.memory_space<vmem>>, %arg18: memref<!tpu.dma_semaphore, #tpu.memory_space<semaphore_mem>>) attributes {dimension_semantics = [#tpu.dimension_semantics<core_parallel>, #tpu.dimension_semantics<subcore_parallel>], iteration_bounds = array<i64: 2, 16>, scalar_prefetch = 0 : i64, scratch_operands = 9 : i64, tpu.core_type = #tpu.core_type<sc_vector_subcore>, window_params = [{transform_indices = #map}, {transform_indices = #map}, {transform_indices = #map}, {transform_indices = #map}, {transform_indices = #map1}, {transform_indices = #map}, {transform_indices = #map1}, {transform_indices = #map}]} {
    %mul3A = arith.constant 2 : i32
    %mul3A_0 = arith.muli %arg1, %mul3A : i32
    %add3A = arith.addi %mul3A_0, %arg0 : i32
    %mul3A_1 = arith.constant 512 : i32
    %mul3A_2 = arith.muli %add3A, %mul3A_1 : i32
    %mul3A_3 = arith.constant 26 : i32
    %mul3A_4 = arith.muli %mul3A_2, %mul3A_3 : i32
    "tpu.region"() ({
      %run_scoped3A = tpu.sem_alloc : memref<!tpu.dma_semaphore, #tpu.memory_space<semaphore_mem>>
      %dma_start3A = tpu.memref_slice %arg2[%mul3A_4] : memref<425984xi32, #tpu.memory_space<hbm>> -> memref<13312xi32, #tpu.memory_space<hbm>>
      %dma_start3A_18 = tpu.memref_slice %arg2[%mul3A_4] : memref<425984xi32, #tpu.memory_space<hbm>> -> memref<13312xi32, #tpu.memory_space<hbm>>
      tpu.enqueue_dma source(%dma_start3A_18 : memref<13312xi32, #tpu.memory_space<hbm>>) target(%arg10 : memref<13312xi32, #tpu.memory_space<vmem>>) target_semaphore(%run_scoped3A : memref<!tpu.dma_semaphore, #tpu.memory_space<semaphore_mem>>)
      %dma_wait3A = tpu.memref_slice %arg2[%mul3A_4] : memref<425984xi32, #tpu.memory_space<hbm>> -> memref<13312xi32, #tpu.memory_space<hbm>>
      %dma_wait3A_19 = tpu.memref_slice %arg2[%mul3A_4] : memref<425984xi32, #tpu.memory_space<hbm>> -> memref<13312xi32, #tpu.memory_space<hbm>>
      tpu.wait_dma2 semaphore(%run_scoped3A : memref<!tpu.dma_semaphore, #tpu.memory_space<semaphore_mem>>) src(%dma_wait3A_19 : memref<13312xi32, #tpu.memory_space<hbm>>) dst(%arg10 : memref<13312xi32, #tpu.memory_space<vmem>>)
      tpu.yield
    }) : () -> ()
    %mul3A_5 = arith.constant 26 : i32
    %mul3A_6 = arith.muli %mul3A_2, %mul3A_5 : i32
    "tpu.region"() ({
      %run_scoped3A = tpu.sem_alloc : memref<!tpu.dma_semaphore, #tpu.memory_space<semaphore_mem>>
      %dma_start3A = tpu.memref_slice %arg3[%mul3A_6] : memref<425984xi32, #tpu.memory_space<hbm>> -> memref<13312xi32, #tpu.memory_space<hbm>>
      %dma_start3A_18 = tpu.memref_slice %arg3[%mul3A_6] : memref<425984xi32, #tpu.memory_space<hbm>> -> memref<13312xi32, #tpu.memory_space<hbm>>
      tpu.enqueue_dma source(%dma_start3A_18 : memref<13312xi32, #tpu.memory_space<hbm>>) target(%arg11 : memref<13312xi32, #tpu.memory_space<vmem>>) target_semaphore(%run_scoped3A : memref<!tpu.dma_semaphore, #tpu.memory_space<semaphore_mem>>)
      %dma_wait3A = tpu.memref_slice %arg3[%mul3A_6] : memref<425984xi32, #tpu.memory_space<hbm>> -> memref<13312xi32, #tpu.memory_space<hbm>>
      %dma_wait3A_19 = tpu.memref_slice %arg3[%mul3A_6] : memref<425984xi32, #tpu.memory_space<hbm>> -> memref<13312xi32, #tpu.memory_space<hbm>>
      tpu.wait_dma2 semaphore(%run_scoped3A : memref<!tpu.dma_semaphore, #tpu.memory_space<semaphore_mem>>) src(%dma_wait3A_19 : memref<13312xi32, #tpu.memory_space<hbm>>) dst(%arg11 : memref<13312xi32, #tpu.memory_space<vmem>>)
      tpu.yield
    }) : () -> ()
    %mul3A_7 = arith.constant 26 : i32
    %mul3A_8 = arith.muli %mul3A_2, %mul3A_7 : i32
    "tpu.region"() ({
      %run_scoped3A = tpu.sem_alloc : memref<!tpu.dma_semaphore, #tpu.memory_space<semaphore_mem>>
      %dma_start3A = tpu.memref_slice %arg4[%mul3A_8] : memref<425984xf32, #tpu.memory_space<hbm>> -> memref<13312xf32, #tpu.memory_space<hbm>>
      %dma_start3A_18 = tpu.memref_slice %arg4[%mul3A_8] : memref<425984xf32, #tpu.memory_space<hbm>> -> memref<13312xf32, #tpu.memory_space<hbm>>
      tpu.enqueue_dma source(%dma_start3A_18 : memref<13312xf32, #tpu.memory_space<hbm>>) target(%arg12 : memref<13312xf32, #tpu.memory_space<vmem>>) target_semaphore(%run_scoped3A : memref<!tpu.dma_semaphore, #tpu.memory_space<semaphore_mem>>)
      %dma_wait3A = tpu.memref_slice %arg4[%mul3A_8] : memref<425984xf32, #tpu.memory_space<hbm>> -> memref<13312xf32, #tpu.memory_space<hbm>>
      %dma_wait3A_19 = tpu.memref_slice %arg4[%mul3A_8] : memref<425984xf32, #tpu.memory_space<hbm>> -> memref<13312xf32, #tpu.memory_space<hbm>>
      tpu.wait_dma2 semaphore(%run_scoped3A : memref<!tpu.dma_semaphore, #tpu.memory_space<semaphore_mem>>) src(%dma_wait3A_19 : memref<13312xf32, #tpu.memory_space<hbm>>) dst(%arg12 : memref<13312xf32, #tpu.memory_space<vmem>>)
      tpu.yield
    }) : () -> ()
    %mul3A_9 = arith.constant 32 : i32
    %mul3A_10 = arith.muli %mul3A_2, %mul3A_9 : i32
    "tpu.region"() ({
      %run_scoped3A = tpu.sem_alloc : memref<!tpu.dma_semaphore, #tpu.memory_space<semaphore_mem>>
      %dma_start3A = tpu.memref_slice %arg5[%mul3A_10] : memref<524288xf32, #tpu.memory_space<hbm>> -> memref<16384xf32, #tpu.memory_space<hbm>>
      %dma_start3A_18 = tpu.memref_slice %arg5[%mul3A_10] : memref<524288xf32, #tpu.memory_space<hbm>> -> memref<16384xf32, #tpu.memory_space<hbm>>
      tpu.enqueue_dma source(%dma_start3A_18 : memref<16384xf32, #tpu.memory_space<hbm>>) target(%arg13 : memref<16384xf32, #tpu.memory_space<vmem>>) target_semaphore(%run_scoped3A : memref<!tpu.dma_semaphore, #tpu.memory_space<semaphore_mem>>)
      %dma_wait3A = tpu.memref_slice %arg5[%mul3A_10] : memref<524288xf32, #tpu.memory_space<hbm>> -> memref<16384xf32, #tpu.memory_space<hbm>>
      %dma_wait3A_19 = tpu.memref_slice %arg5[%mul3A_10] : memref<524288xf32, #tpu.memory_space<hbm>> -> memref<16384xf32, #tpu.memory_space<hbm>>
      tpu.wait_dma2 semaphore(%run_scoped3A : memref<!tpu.dma_semaphore, #tpu.memory_space<semaphore_mem>>) src(%dma_wait3A_19 : memref<16384xf32, #tpu.memory_space<hbm>>) dst(%arg13 : memref<16384xf32, #tpu.memory_space<vmem>>)
      tpu.yield
    }) : () -> ()
    %scan3A = arith.constant 0 : i32
    %scan3A_11 = arith.constant 0 : i32
    %scan3A_12 = arith.constant 8 : i32
    %scan3A_13 = arith.addi %scan3A_11, %scan3A_12 : i32
    %scan3A_14 = arith.constant 1 : i32
    scf.for %scan3A_18 = %scan3A_11 to %scan3A_13 step %scan3A_14  : i32 {
      %mul3A_19 = arith.constant 1664 : i32
      %mul3A_20 = arith.muli %scan3A_18, %mul3A_19 : i32
      %add3A_21 = arith.constant 0 : i32
      %add3A_22 = arith.addi %mul3A_20, %add3A_21 : i32
      %dma_start3A = arith.constant 0 : i32
      %dma_start3A_23 = arith.constant 0 : i32
      %dma_start3A_24 = tpu.memref_slice %arg14[%dma_start3A, %dma_start3A_23] : memref<1664x16xf32, #tpu.memory_space<vmem>> -> memref<128x16xf32, #tpu.memory_space<vmem>>
      %dma_start3A_25 = tpu.memref_slice %arg10[%add3A_22] : memref<13312xi32, #tpu.memory_space<vmem>> -> memref<128xi32, #tpu.memory_space<vmem>>
      %dma_start3A_26 = arith.constant 0 : i32
      %dma_start3A_27 = arith.constant 0 : i32
      %dma_start3A_28 = tpu.memref_slice %arg6[%dma_start3A_26, %dma_start3A_27] : memref<8000000x16xf32, #tpu.memory_space<hbm>> -> memref<8000000x16xf32, #tpu.memory_space<hbm>>
      tpu.enqueue_indirect_dma source(%dma_start3A_28 : memref<8000000x16xf32, #tpu.memory_space<hbm>>) target(%dma_start3A_24 : memref<128x16xf32, #tpu.memory_space<vmem>>) offsets(%dma_start3A_25 : memref<128xi32, #tpu.memory_space<vmem>>) semaphore(%arg18 : memref<!tpu.dma_semaphore, #tpu.memory_space<semaphore_mem>>)
      %dma_start3A_29 = arith.constant 0 : i32
      %dma_start3A_30 = tpu.memref_slice %arg15[%dma_start3A_29] : memref<1664xf32, #tpu.memory_space<vmem>> -> memref<128xf32, #tpu.memory_space<vmem>>
      %dma_start3A_31 = tpu.memref_slice %arg11[%add3A_22] : memref<13312xi32, #tpu.memory_space<vmem>> -> memref<128xi32, #tpu.memory_space<vmem>>
      %dma_start3A_32 = arith.constant 0 : i32
      %dma_start3A_33 = tpu.memref_slice %arg7[%dma_start3A_32] : memref<1000000xf32, #tpu.memory_space<hbm>> -> memref<1000000xf32, #tpu.memory_space<hbm>>
      tpu.enqueue_indirect_dma source(%dma_start3A_33 : memref<1000000xf32, #tpu.memory_space<hbm>>) target(%dma_start3A_30 : memref<128xf32, #tpu.memory_space<vmem>>) offsets(%dma_start3A_31 : memref<128xi32, #tpu.memory_space<vmem>>) semaphore(%arg18 : memref<!tpu.dma_semaphore, #tpu.memory_space<semaphore_mem>>)
      %add3A_34 = arith.constant 128 : i32
      %add3A_35 = arith.addi %mul3A_20, %add3A_34 : i32
      %dma_start3A_36 = arith.constant 128 : i32
      %dma_start3A_37 = arith.constant 0 : i32
      %dma_start3A_38 = tpu.memref_slice %arg14[%dma_start3A_36, %dma_start3A_37] : memref<1664x16xf32, #tpu.memory_space<vmem>> -> memref<128x16xf32, #tpu.memory_space<vmem>>
      %dma_start3A_39 = tpu.memref_slice %arg10[%add3A_35] : memref<13312xi32, #tpu.memory_space<vmem>> -> memref<128xi32, #tpu.memory_space<vmem>>
      %dma_start3A_40 = arith.constant 0 : i32
      %dma_start3A_41 = arith.constant 0 : i32
      %dma_start3A_42 = tpu.memref_slice %arg6[%dma_start3A_40, %dma_start3A_41] : memref<8000000x16xf32, #tpu.memory_space<hbm>> -> memref<8000000x16xf32, #tpu.memory_space<hbm>>
      tpu.enqueue_indirect_dma source(%dma_start3A_42 : memref<8000000x16xf32, #tpu.memory_space<hbm>>) target(%dma_start3A_38 : memref<128x16xf32, #tpu.memory_space<vmem>>) offsets(%dma_start3A_39 : memref<128xi32, #tpu.memory_space<vmem>>) semaphore(%arg18 : memref<!tpu.dma_semaphore, #tpu.memory_space<semaphore_mem>>)
      %dma_start3A_43 = arith.constant 128 : i32
      %dma_start3A_44 = tpu.memref_slice %arg15[%dma_start3A_43] : memref<1664xf32, #tpu.memory_space<vmem>> -> memref<128xf32, #tpu.memory_space<vmem>>
      %dma_start3A_45 = tpu.memref_slice %arg11[%add3A_35] : memref<13312xi32, #tpu.memory_space<vmem>> -> memref<128xi32, #tpu.memory_space<vmem>>
      %dma_start3A_46 = arith.constant 0 : i32
      %dma_start3A_47 = tpu.memref_slice %arg7[%dma_start3A_46] : memref<1000000xf32, #tpu.memory_space<hbm>> -> memref<1000000xf32, #tpu.memory_space<hbm>>
      tpu.enqueue_indirect_dma source(%dma_start3A_47 : memref<1000000xf32, #tpu.memory_space<hbm>>) target(%dma_start3A_44 : memref<128xf32, #tpu.memory_space<vmem>>) offsets(%dma_start3A_45 : memref<128xi32, #tpu.memory_space<vmem>>) semaphore(%arg18 : memref<!tpu.dma_semaphore, #tpu.memory_space<semaphore_mem>>)
      %add3A_48 = arith.constant 256 : i32
      %add3A_49 = arith.addi %mul3A_20, %add3A_48 : i32
      %dma_start3A_50 = arith.constant 256 : i32
      %dma_start3A_51 = arith.constant 0 : i32
      %dma_start3A_52 = tpu.memref_slice %arg14[%dma_start3A_50, %dma_start3A_51] : memref<1664x16xf32, #tpu.memory_space<vmem>> -> memref<128x16xf32, #tpu.memory_space<vmem>>
      %dma_start3A_53 = tpu.memref_slice %arg10[%add3A_49] : memref<13312xi32, #tpu.memory_space<vmem>> -> memref<128xi32, #tpu.memory_space<vmem>>
      %dma_start3A_54 = arith.constant 0 : i32
      %dma_start3A_55 = arith.constant 0 : i32
      %dma_start3A_56 = tpu.memref_slice %arg6[%dma_start3A_54, %dma_start3A_55] : memref<8000000x16xf32, #tpu.memory_space<hbm>> -> memref<8000000x16xf32, #tpu.memory_space<hbm>>
      tpu.enqueue_indirect_dma source(%dma_start3A_56 : memref<8000000x16xf32, #tpu.memory_space<hbm>>) target(%dma_start3A_52 : memref<128x16xf32, #tpu.memory_space<vmem>>) offsets(%dma_start3A_53 : memref<128xi32, #tpu.memory_space<vmem>>) semaphore(%arg18 : memref<!tpu.dma_semaphore, #tpu.memory_space<semaphore_mem>>)
      %dma_start3A_57 = arith.constant 256 : i32
      %dma_start3A_58 = tpu.memref_slice %arg15[%dma_start3A_57] : memref<1664xf32, #tpu.memory_space<vmem>> -> memref<128xf32, #tpu.memory_space<vmem>>
      %dma_start3A_59 = tpu.memref_slice %arg11[%add3A_49] : memref<13312xi32, #tpu.memory_space<vmem>> -> memref<128xi32, #tpu.memory_space<vmem>>
      %dma_start3A_60 = arith.constant 0 : i32
      %dma_start3A_61 = tpu.memref_slice %arg7[%dma_start3A_60] : memref<1000000xf32, #tpu.memory_space<hbm>> -> memref<1000000xf32, #tpu.memory_space<hbm>>
      tpu.enqueue_indirect_dma source(%dma_start3A_61 : memref<1000000xf32, #tpu.memory_space<hbm>>) target(%dma_start3A_58 : memref<128xf32, #tpu.memory_space<vmem>>) offsets(%dma_start3A_59 : memref<128xi32, #tpu.memory_space<vmem>>) semaphore(%arg18 : memref<!tpu.dma_semaphore, #tpu.memory_space<semaphore_mem>>)
      %add3A_62 = arith.constant 384 : i32
      %add3A_63 = arith.addi %mul3A_20, %add3A_62 : i32
      %dma_start3A_64 = arith.constant 384 : i32
      %dma_start3A_65 = arith.constant 0 : i32
      %dma_start3A_66 = tpu.memref_slice %arg14[%dma_start3A_64, %dma_start3A_65] : memref<1664x16xf32, #tpu.memory_space<vmem>> -> memref<128x16xf32, #tpu.memory_space<vmem>>
      %dma_start3A_67 = tpu.memref_slice %arg10[%add3A_63] : memref<13312xi32, #tpu.memory_space<vmem>> -> memref<128xi32, #tpu.memory_space<vmem>>
      %dma_start3A_68 = arith.constant 0 : i32
      %dma_start3A_69 = arith.constant 0 : i32
      %dma_start3A_70 = tpu.memref_slice %arg6[%dma_start3A_68, %dma_start3A_69] : memref<8000000x16xf32, #tpu.memory_space<hbm>> -> memref<8000000x16xf32, #tpu.memory_space<hbm>>
      tpu.enqueue_indirect_dma source(%dma_start3A_70 : memref<8000000x16xf32, #tpu.memory_space<hbm>>) target(%dma_start3A_66 : memref<128x16xf32, #tpu.memory_space<vmem>>) offsets(%dma_start3A_67 : memref<128xi32, #tpu.memory_space<vmem>>) semaphore(%arg18 : memref<!tpu.dma_semaphore, #tpu.memory_space<semaphore_mem>>)
      %dma_start3A_71 = arith.constant 384 : i32
      %dma_start3A_72 = tpu.memref_slice %arg15[%dma_start3A_71] : memref<1664xf32, #tpu.memory_space<vmem>> -> memref<128xf32, #tpu.memory_space<vmem>>
      %dma_start3A_73 = tpu.memref_slice %arg11[%add3A_63] : memref<13312xi32, #tpu.memory_space<vmem>> -> memref<128xi32, #tpu.memory_space<vmem>>
      %dma_start3A_74 = arith.constant 0 : i32
      %dma_start3A_75 = tpu.memref_slice %arg7[%dma_start3A_74] : memref<1000000xf32, #tpu.memory_space<hbm>> -> memref<1000000xf32, #tpu.memory_space<hbm>>
      tpu.enqueue_indirect_dma source(%dma_start3A_75 : memref<1000000xf32, #tpu.memory_space<hbm>>) target(%dma_start3A_72 : memref<128xf32, #tpu.memory_space<vmem>>) offsets(%dma_start3A_73 : memref<128xi32, #tpu.memory_space<vmem>>) semaphore(%arg18 : memref<!tpu.dma_semaphore, #tpu.memory_space<semaphore_mem>>)
      %add3A_76 = arith.constant 512 : i32
      %add3A_77 = arith.addi %mul3A_20, %add3A_76 : i32
      %dma_start3A_78 = arith.constant 512 : i32
      %dma_start3A_79 = arith.constant 0 : i32
      %dma_start3A_80 = tpu.memref_slice %arg14[%dma_start3A_78, %dma_start3A_79] : memref<1664x16xf32, #tpu.memory_space<vmem>> -> memref<128x16xf32, #tpu.memory_space<vmem>>
      %dma_start3A_81 = tpu.memref_slice %arg10[%add3A_77] : memref<13312xi32, #tpu.memory_space<vmem>> -> memref<128xi32, #tpu.memory_space<vmem>>
      %dma_start3A_82 = arith.constant 0 : i32
      %dma_start3A_83 = arith.constant 0 : i32
      %dma_start3A_84 = tpu.memref_slice %arg6[%dma_start3A_82, %dma_start3A_83] : memref<8000000x16xf32, #tpu.memory_space<hbm>> -> memref<8000000x16xf32, #tpu.memory_space<hbm>>
      tpu.enqueue_indirect_dma source(%dma_start3A_84 : memref<8000000x16xf32, #tpu.memory_space<hbm>>) target(%dma_start3A_80 : memref<128x16xf32, #tpu.memory_space<vmem>>) offsets(%dma_start3A_81 : memref<128xi32, #tpu.memory_space<vmem>>) semaphore(%arg18 : memref<!tpu.dma_semaphore, #tpu.memory_space<semaphore_mem>>)
      %dma_start3A_85 = arith.constant 512 : i32
      %dma_start3A_86 = tpu.memref_slice %arg15[%dma_start3A_85] : memref<1664xf32, #tpu.memory_space<vmem>> -> memref<128xf32, #tpu.memory_space<vmem>>
      %dma_start3A_87 = tpu.memref_slice %arg11[%add3A_77] : memref<13312xi32, #tpu.memory_space<vmem>> -> memref<128xi32, #tpu.memory_space<vmem>>
      %dma_start3A_88 = arith.constant 0 : i32
      %dma_start3A_89 = tpu.memref_slice %arg7[%dma_start3A_88] : memref<1000000xf32, #tpu.memory_space<hbm>> -> memref<1000000xf32, #tpu.memory_space<hbm>>
      tpu.enqueue_indirect_dma source(%dma_start3A_89 : memref<1000000xf32, #tpu.memory_space<hbm>>) target(%dma_start3A_86 : memref<128xf32, #tpu.memory_space<vmem>>) offsets(%dma_start3A_87 : memref<128xi32, #tpu.memory_space<vmem>>) semaphore(%arg18 : memref<!tpu.dma_semaphore, #tpu.memory_space<semaphore_mem>>)
      %add3A_90 = arith.constant 640 : i32
      %add3A_91 = arith.addi %mul3A_20, %add3A_90 : i32
      %dma_start3A_92 = arith.constant 640 : i32
      %dma_start3A_93 = arith.constant 0 : i32
      %dma_start3A_94 = tpu.memref_slice %arg14[%dma_start3A_92, %dma_start3A_93] : memref<1664x16xf32, #tpu.memory_space<vmem>> -> memref<128x16xf32, #tpu.memory_space<vmem>>
      %dma_start3A_95 = tpu.memref_slice %arg10[%add3A_91] : memref<13312xi32, #tpu.memory_space<vmem>> -> memref<128xi32, #tpu.memory_space<vmem>>
      %dma_start3A_96 = arith.constant 0 : i32
      %dma_start3A_97 = arith.constant 0 : i32
      %dma_start3A_98 = tpu.memref_slice %arg6[%dma_start3A_96, %dma_start3A_97] : memref<8000000x16xf32, #tpu.memory_space<hbm>> -> memref<8000000x16xf32, #tpu.memory_space<hbm>>
      tpu.enqueue_indirect_dma source(%dma_start3A_98 : memref<8000000x16xf32, #tpu.memory_space<hbm>>) target(%dma_start3A_94 : memref<128x16xf32, #tpu.memory_space<vmem>>) offsets(%dma_start3A_95 : memref<128xi32, #tpu.memory_space<vmem>>) semaphore(%arg18 : memref<!tpu.dma_semaphore, #tpu.memory_space<semaphore_mem>>)
      %dma_start3A_99 = arith.constant 640 : i32
      %dma_start3A_100 = tpu.memref_slice %arg15[%dma_start3A_99] : memref<1664xf32, #tpu.memory_space<vmem>> -> memref<128xf32, #tpu.memory_space<vmem>>
      %dma_start3A_101 = tpu.memref_slice %arg11[%add3A_91] : memref<13312xi32, #tpu.memory_space<vmem>> -> memref<128xi32, #tpu.memory_space<vmem>>
      %dma_start3A_102 = arith.constant 0 : i32
      %dma_start3A_103 = tpu.memref_slice %arg7[%dma_start3A_102] : memref<1000000xf32, #tpu.memory_space<hbm>> -> memref<1000000xf32, #tpu.memory_space<hbm>>
      tpu.enqueue_indirect_dma source(%dma_start3A_103 : memref<1000000xf32, #tpu.memory_space<hbm>>) target(%dma_start3A_100 : memref<128xf32, #tpu.memory_space<vmem>>) offsets(%dma_start3A_101 : memref<128xi32, #tpu.memory_space<vmem>>) semaphore(%arg18 : memref<!tpu.dma_semaphore, #tpu.memory_space<semaphore_mem>>)
      %add3A_104 = arith.constant 768 : i32
      %add3A_105 = arith.addi %mul3A_20, %add3A_104 : i32
      %dma_start3A_106 = arith.constant 768 : i32
      %dma_start3A_107 = arith.constant 0 : i32
      %dma_start3A_108 = tpu.memref_slice %arg14[%dma_start3A_106, %dma_start3A_107] : memref<1664x16xf32, #tpu.memory_space<vmem>> -> memref<128x16xf32, #tpu.memory_space<vmem>>
      %dma_start3A_109 = tpu.memref_slice %arg10[%add3A_105] : memref<13312xi32, #tpu.memory_space<vmem>> -> memref<128xi32, #tpu.memory_space<vmem>>
      %dma_start3A_110 = arith.constant 0 : i32
      %dma_start3A_111 = arith.constant 0 : i32
      %dma_start3A_112 = tpu.memref_slice %arg6[%dma_start3A_110, %dma_start3A_111] : memref<8000000x16xf32, #tpu.memory_space<hbm>> -> memref<8000000x16xf32, #tpu.memory_space<hbm>>
      tpu.enqueue_indirect_dma source(%dma_start3A_112 : memref<8000000x16xf32, #tpu.memory_space<hbm>>) target(%dma_start3A_108 : memref<128x16xf32, #tpu.memory_space<vmem>>) offsets(%dma_start3A_109 : memref<128xi32, #tpu.memory_space<vmem>>) semaphore(%arg18 : memref<!tpu.dma_semaphore, #tpu.memory_space<semaphore_mem>>)
      %dma_start3A_113 = arith.constant 768 : i32
      %dma_start3A_114 = tpu.memref_slice %arg15[%dma_start3A_113] : memref<1664xf32, #tpu.memory_space<vmem>> -> memref<128xf32, #tpu.memory_space<vmem>>
      %dma_start3A_115 = tpu.memref_slice %arg11[%add3A_105] : memref<13312xi32, #tpu.memory_space<vmem>> -> memref<128xi32, #tpu.memory_space<vmem>>
      %dma_start3A_116 = arith.constant 0 : i32
      %dma_start3A_117 = tpu.memref_slice %arg7[%dma_start3A_116] : memref<1000000xf32, #tpu.memory_space<hbm>> -> memref<1000000xf32, #tpu.memory_space<hbm>>
      tpu.enqueue_indirect_dma source(%dma_start3A_117 : memref<1000000xf32, #tpu.memory_space<hbm>>) target(%dma_start3A_114 : memref<128xf32, #tpu.memory_space<vmem>>) offsets(%dma_start3A_115 : memref<128xi32, #tpu.memory_space<vmem>>) semaphore(%arg18 : memref<!tpu.dma_semaphore, #tpu.memory_space<semaphore_mem>>)
      %add3A_118 = arith.constant 896 : i32
      %add3A_119 = arith.addi %mul3A_20, %add3A_118 : i32
      %dma_start3A_120 = arith.constant 896 : i32
      %dma_start3A_121 = arith.constant 0 : i32
      %dma_start3A_122 = tpu.memref_slice %arg14[%dma_start3A_120, %dma_start3A_121] : memref<1664x16xf32, #tpu.memory_space<vmem>> -> memref<128x16xf32, #tpu.memory_space<vmem>>
      %dma_start3A_123 = tpu.memref_slice %arg10[%add3A_119] : memref<13312xi32, #tpu.memory_space<vmem>> -> memref<128xi32, #tpu.memory_space<vmem>>
      %dma_start3A_124 = arith.constant 0 : i32
      %dma_start3A_125 = arith.constant 0 : i32
      %dma_start3A_126 = tpu.memref_slice %arg6[%dma_start3A_124, %dma_start3A_125] : memref<8000000x16xf32, #tpu.memory_space<hbm>> -> memref<8000000x16xf32, #tpu.memory_space<hbm>>
      tpu.enqueue_indirect_dma source(%dma_start3A_126 : memref<8000000x16xf32, #tpu.memory_space<hbm>>) target(%dma_start3A_122 : memref<128x16xf32, #tpu.memory_space<vmem>>) offsets(%dma_start3A_123 : memref<128xi32, #tpu.memory_space<vmem>>) semaphore(%arg18 : memref<!tpu.dma_semaphore, #tpu.memory_space<semaphore_mem>>)
      %dma_start3A_127 = arith.constant 896 : i32
      %dma_start3A_128 = tpu.memref_slice %arg15[%dma_start3A_127] : memref<1664xf32, #tpu.memory_space<vmem>> -> memref<128xf32, #tpu.memory_space<vmem>>
      %dma_start3A_129 = tpu.memref_slice %arg11[%add3A_119] : memref<13312xi32, #tpu.memory_space<vmem>> -> memref<128xi32, #tpu.memory_space<vmem>>
      %dma_start3A_130 = arith.constant 0 : i32
      %dma_start3A_131 = tpu.memref_slice %arg7[%dma_start3A_130] : memref<1000000xf32, #tpu.memory_space<hbm>> -> memref<1000000xf32, #tpu.memory_space<hbm>>
      tpu.enqueue_indirect_dma source(%dma_start3A_131 : memref<1000000xf32, #tpu.memory_space<hbm>>) target(%dma_start3A_128 : memref<128xf32, #tpu.memory_space<vmem>>) offsets(%dma_start3A_129 : memref<128xi32, #tpu.memory_space<vmem>>) semaphore(%arg18 : memref<!tpu.dma_semaphore, #tpu.memory_space<semaphore_mem>>)
      %add3A_132 = arith.constant 1024 : i32
      %add3A_133 = arith.addi %mul3A_20, %add3A_132 : i32
      %dma_start3A_134 = arith.constant 1024 : i32
      %dma_start3A_135 = arith.constant 0 : i32
      %dma_start3A_136 = tpu.memref_slice %arg14[%dma_start3A_134, %dma_start3A_135] : memref<1664x16xf32, #tpu.memory_space<vmem>> -> memref<128x16xf32, #tpu.memory_space<vmem>>
      %dma_start3A_137 = tpu.memref_slice %arg10[%add3A_133] : memref<13312xi32, #tpu.memory_space<vmem>> -> memref<128xi32, #tpu.memory_space<vmem>>
      %dma_start3A_138 = arith.constant 0 : i32
      %dma_start3A_139 = arith.constant 0 : i32
      %dma_start3A_140 = tpu.memref_slice %arg6[%dma_start3A_138, %dma_start3A_139] : memref<8000000x16xf32, #tpu.memory_space<hbm>> -> memref<8000000x16xf32, #tpu.memory_space<hbm>>
      tpu.enqueue_indirect_dma source(%dma_start3A_140 : memref<8000000x16xf32, #tpu.memory_space<hbm>>) target(%dma_start3A_136 : memref<128x16xf32, #tpu.memory_space<vmem>>) offsets(%dma_start3A_137 : memref<128xi32, #tpu.memory_space<vmem>>) semaphore(%arg18 : memref<!tpu.dma_semaphore, #tpu.memory_space<semaphore_mem>>)
      %dma_start3A_141 = arith.constant 1024 : i32
      %dma_start3A_142 = tpu.memref_slice %arg15[%dma_start3A_141] : memref<1664xf32, #tpu.memory_space<vmem>> -> memref<128xf32, #tpu.memory_space<vmem>>
      %dma_start3A_143 = tpu.memref_slice %arg11[%add3A_133] : memref<13312xi32, #tpu.memory_space<vmem>> -> memref<128xi32, #tpu.memory_space<vmem>>
      %dma_start3A_144 = arith.constant 0 : i32
      %dma_start3A_145 = tpu.memref_slice %arg7[%dma_start3A_144] : memref<1000000xf32, #tpu.memory_space<hbm>> -> memref<1000000xf32, #tpu.memory_space<hbm>>
      tpu.enqueue_indirect_dma source(%dma_start3A_145 : memref<1000000xf32, #tpu.memory_space<hbm>>) target(%dma_start3A_142 : memref<128xf32, #tpu.memory_space<vmem>>) offsets(%dma_start3A_143 : memref<128xi32, #tpu.memory_space<vmem>>) semaphore(%arg18 : memref<!tpu.dma_semaphore, #tpu.memory_space<semaphore_mem>>)
      %add3A_146 = arith.constant 1152 : i32
      %add3A_147 = arith.addi %mul3A_20, %add3A_146 : i32
      %dma_start3A_148 = arith.constant 1152 : i32
      %dma_start3A_149 = arith.constant 0 : i32
      %dma_start3A_150 = tpu.memref_slice %arg14[%dma_start3A_148, %dma_start3A_149] : memref<1664x16xf32, #tpu.memory_space<vmem>> -> memref<128x16xf32, #tpu.memory_space<vmem>>
      %dma_start3A_151 = tpu.memref_slice %arg10[%add3A_147] : memref<13312xi32, #tpu.memory_space<vmem>> -> memref<128xi32, #tpu.memory_space<vmem>>
      %dma_start3A_152 = arith.constant 0 : i32
      %dma_start3A_153 = arith.constant 0 : i32
      %dma_start3A_154 = tpu.memref_slice %arg6[%dma_start3A_152, %dma_start3A_153] : memref<8000000x16xf32, #tpu.memory_space<hbm>> -> memref<8000000x16xf32, #tpu.memory_space<hbm>>
      tpu.enqueue_indirect_dma source(%dma_start3A_154 : memref<8000000x16xf32, #tpu.memory_space<hbm>>) target(%dma_start3A_150 : memref<128x16xf32, #tpu.memory_space<vmem>>) offsets(%dma_start3A_151 : memref<128xi32, #tpu.memory_space<vmem>>) semaphore(%arg18 : memref<!tpu.dma_semaphore, #tpu.memory_space<semaphore_mem>>)
      %dma_start3A_155 = arith.constant 1152 : i32
      %dma_start3A_156 = tpu.memref_slice %arg15[%dma_start3A_155] : memref<1664xf32, #tpu.memory_space<vmem>> -> memref<128xf32, #tpu.memory_space<vmem>>
      %dma_start3A_157 = tpu.memref_slice %arg11[%add3A_147] : memref<13312xi32, #tpu.memory_space<vmem>> -> memref<128xi32, #tpu.memory_space<vmem>>
      %dma_start3A_158 = arith.constant 0 : i32
      %dma_start3A_159 = tpu.memref_slice %arg7[%dma_start3A_158] : memref<1000000xf32, #tpu.memory_space<hbm>> -> memref<1000000xf32, #tpu.memory_space<hbm>>
      tpu.enqueue_indirect_dma source(%dma_start3A_159 : memref<1000000xf32, #tpu.memory_space<hbm>>) target(%dma_start3A_156 : memref<128xf32, #tpu.memory_space<vmem>>) offsets(%dma_start3A_157 : memref<128xi32, #tpu.memory_space<vmem>>) semaphore(%arg18 : memref<!tpu.dma_semaphore, #tpu.memory_space<semaphore_mem>>)
      %add3A_160 = arith.constant 1280 : i32
      %add3A_161 = arith.addi %mul3A_20, %add3A_160 : i32
      %dma_start3A_162 = arith.constant 1280 : i32
      %dma_start3A_163 = arith.constant 0 : i32
      %dma_start3A_164 = tpu.memref_slice %arg14[%dma_start3A_162, %dma_start3A_163] : memref<1664x16xf32, #tpu.memory_space<vmem>> -> memref<128x16xf32, #tpu.memory_space<vmem>>
      %dma_start3A_165 = tpu.memref_slice %arg10[%add3A_161] : memref<13312xi32, #tpu.memory_space<vmem>> -> memref<128xi32, #tpu.memory_space<vmem>>
      %dma_start3A_166 = arith.constant 0 : i32
      %dma_start3A_167 = arith.constant 0 : i32
      %dma_start3A_168 = tpu.memref_slice %arg6[%dma_start3A_166, %dma_start3A_167] : memref<8000000x16xf32, #tpu.memory_space<hbm>> -> memref<8000000x16xf32, #tpu.memory_space<hbm>>
      tpu.enqueue_indirect_dma source(%dma_start3A_168 : memref<8000000x16xf32, #tpu.memory_space<hbm>>) target(%dma_start3A_164 : memref<128x16xf32, #tpu.memory_space<vmem>>) offsets(%dma_start3A_165 : memref<128xi32, #tpu.memory_space<vmem>>) semaphore(%arg18 : memref<!tpu.dma_semaphore, #tpu.memory_space<semaphore_mem>>)
      %dma_start3A_169 = arith.constant 1280 : i32
      %dma_start3A_170 = tpu.memref_slice %arg15[%dma_start3A_169] : memref<1664xf32, #tpu.memory_space<vmem>> -> memref<128xf32, #tpu.memory_space<vmem>>
      %dma_start3A_171 = tpu.memref_slice %arg11[%add3A_161] : memref<13312xi32, #tpu.memory_space<vmem>> -> memref<128xi32, #tpu.memory_space<vmem>>
      %dma_start3A_172 = arith.constant 0 : i32
      %dma_start3A_173 = tpu.memref_slice %arg7[%dma_start3A_172] : memref<1000000xf32, #tpu.memory_space<hbm>> -> memref<1000000xf32, #tpu.memory_space<hbm>>
      tpu.enqueue_indirect_dma source(%dma_start3A_173 : memref<1000000xf32, #tpu.memory_space<hbm>>) target(%dma_start3A_170 : memref<128xf32, #tpu.memory_space<vmem>>) offsets(%dma_start3A_171 : memref<128xi32, #tpu.memory_space<vmem>>) semaphore(%arg18 : memref<!tpu.dma_semaphore, #tpu.memory_space<semaphore_mem>>)
      %add3A_174 = arith.constant 1408 : i32
      %add3A_175 = arith.addi %mul3A_20, %add3A_174 : i32
      %dma_start3A_176 = arith.constant 1408 : i32
      %dma_start3A_177 = arith.constant 0 : i32
      %dma_start3A_178 = tpu.memref_slice %arg14[%dma_start3A_176, %dma_start3A_177] : memref<1664x16xf32, #tpu.memory_space<vmem>> -> memref<128x16xf32, #tpu.memory_space<vmem>>
      %dma_start3A_179 = tpu.memref_slice %arg10[%add3A_175] : memref<13312xi32, #tpu.memory_space<vmem>> -> memref<128xi32, #tpu.memory_space<vmem>>
      %dma_start3A_180 = arith.constant 0 : i32
      %dma_start3A_181 = arith.constant 0 : i32
      %dma_start3A_182 = tpu.memref_slice %arg6[%dma_start3A_180, %dma_start3A_181] : memref<8000000x16xf32, #tpu.memory_space<hbm>> -> memref<8000000x16xf32, #tpu.memory_space<hbm>>
      tpu.enqueue_indirect_dma source(%dma_start3A_182 : memref<8000000x16xf32, #tpu.memory_space<hbm>>) target(%dma_start3A_178 : memref<128x16xf32, #tpu.memory_space<vmem>>) offsets(%dma_start3A_179 : memref<128xi32, #tpu.memory_space<vmem>>) semaphore(%arg18 : memref<!tpu.dma_semaphore, #tpu.memory_space<semaphore_mem>>)
      %dma_start3A_183 = arith.constant 1408 : i32
      %dma_start3A_184 = tpu.memref_slice %arg15[%dma_start3A_183] : memref<1664xf32, #tpu.memory_space<vmem>> -> memref<128xf32, #tpu.memory_space<vmem>>
      %dma_start3A_185 = tpu.memref_slice %arg11[%add3A_175] : memref<13312xi32, #tpu.memory_space<vmem>> -> memref<128xi32, #tpu.memory_space<vmem>>
      %dma_start3A_186 = arith.constant 0 : i32
      %dma_start3A_187 = tpu.memref_slice %arg7[%dma_start3A_186] : memref<1000000xf32, #tpu.memory_space<hbm>> -> memref<1000000xf32, #tpu.memory_space<hbm>>
      tpu.enqueue_indirect_dma source(%dma_start3A_187 : memref<1000000xf32, #tpu.memory_space<hbm>>) target(%dma_start3A_184 : memref<128xf32, #tpu.memory_space<vmem>>) offsets(%dma_start3A_185 : memref<128xi32, #tpu.memory_space<vmem>>) semaphore(%arg18 : memref<!tpu.dma_semaphore, #tpu.memory_space<semaphore_mem>>)
      %add3A_188 = arith.constant 1536 : i32
      %add3A_189 = arith.addi %mul3A_20, %add3A_188 : i32
      %dma_start3A_190 = arith.constant 1536 : i32
      %dma_start3A_191 = arith.constant 0 : i32
      %dma_start3A_192 = tpu.memref_slice %arg14[%dma_start3A_190, %dma_start3A_191] : memref<1664x16xf32, #tpu.memory_space<vmem>> -> memref<128x16xf32, #tpu.memory_space<vmem>>
      %dma_start3A_193 = tpu.memref_slice %arg10[%add3A_189] : memref<13312xi32, #tpu.memory_space<vmem>> -> memref<128xi32, #tpu.memory_space<vmem>>
      %dma_start3A_194 = arith.constant 0 : i32
      %dma_start3A_195 = arith.constant 0 : i32
      %dma_start3A_196 = tpu.memref_slice %arg6[%dma_start3A_194, %dma_start3A_195] : memref<8000000x16xf32, #tpu.memory_space<hbm>> -> memref<8000000x16xf32, #tpu.memory_space<hbm>>
      tpu.enqueue_indirect_dma source(%dma_start3A_196 : memref<8000000x16xf32, #tpu.memory_space<hbm>>) target(%dma_start3A_192 : memref<128x16xf32, #tpu.memory_space<vmem>>) offsets(%dma_start3A_193 : memref<128xi32, #tpu.memory_space<vmem>>) semaphore(%arg18 : memref<!tpu.dma_semaphore, #tpu.memory_space<semaphore_mem>>)
      %dma_start3A_197 = arith.constant 1536 : i32
      %dma_start3A_198 = tpu.memref_slice %arg15[%dma_start3A_197] : memref<1664xf32, #tpu.memory_space<vmem>> -> memref<128xf32, #tpu.memory_space<vmem>>
      %dma_start3A_199 = tpu.memref_slice %arg11[%add3A_189] : memref<13312xi32, #tpu.memory_space<vmem>> -> memref<128xi32, #tpu.memory_space<vmem>>
      %dma_start3A_200 = arith.constant 0 : i32
      %dma_start3A_201 = tpu.memref_slice %arg7[%dma_start3A_200] : memref<1000000xf32, #tpu.memory_space<hbm>> -> memref<1000000xf32, #tpu.memory_space<hbm>>
      tpu.enqueue_indirect_dma source(%dma_start3A_201 : memref<1000000xf32, #tpu.memory_space<hbm>>) target(%dma_start3A_198 : memref<128xf32, #tpu.memory_space<vmem>>) offsets(%dma_start3A_199 : memref<128xi32, #tpu.memory_space<vmem>>) semaphore(%arg18 : memref<!tpu.dma_semaphore, #tpu.memory_space<semaphore_mem>>)
      %dma_wait3A = arith.constant 0 : i32
      %dma_wait3A_202 = arith.constant 0 : i32
      %dma_wait3A_203 = tpu.memref_slice %arg14[%dma_wait3A, %dma_wait3A_202] : memref<1664x16xf32, #tpu.memory_space<vmem>> -> memref<128x16xf32, #tpu.memory_space<vmem>>
      %dma_wait3A_204 = tpu.memref_slice %arg10[%add3A_22] : memref<13312xi32, #tpu.memory_space<vmem>> -> memref<128xi32, #tpu.memory_space<vmem>>
      %dma_wait3A_205 = arith.constant 0 : i32
      %dma_wait3A_206 = arith.constant 0 : i32
      %dma_wait3A_207 = tpu.memref_slice %arg6[%dma_wait3A_205, %dma_wait3A_206] : memref<8000000x16xf32, #tpu.memory_space<hbm>> -> memref<8000000x16xf32, #tpu.memory_space<hbm>>
      tpu.wait_indirect_dma semaphore(%arg18 : memref<!tpu.dma_semaphore, #tpu.memory_space<semaphore_mem>>) src(%dma_wait3A_207 : memref<8000000x16xf32, #tpu.memory_space<hbm>>) dst(%dma_wait3A_203 : memref<128x16xf32, #tpu.memory_space<vmem>>)
      %dma_wait3A_208 = arith.constant 0 : i32
      %dma_wait3A_209 = tpu.memref_slice %arg15[%dma_wait3A_208] : memref<1664xf32, #tpu.memory_space<vmem>> -> memref<128xf32, #tpu.memory_space<vmem>>
      %dma_wait3A_210 = tpu.memref_slice %arg11[%add3A_22] : memref<13312xi32, #tpu.memory_space<vmem>> -> memref<128xi32, #tpu.memory_space<vmem>>
      %dma_wait3A_211 = arith.constant 0 : i32
      %dma_wait3A_212 = tpu.memref_slice %arg7[%dma_wait3A_211] : memref<1000000xf32, #tpu.memory_space<hbm>> -> memref<1000000xf32, #tpu.memory_space<hbm>>
      tpu.wait_indirect_dma semaphore(%arg18 : memref<!tpu.dma_semaphore, #tpu.memory_space<semaphore_mem>>) src(%dma_wait3A_212 : memref<1000000xf32, #tpu.memory_space<hbm>>) dst(%dma_wait3A_209 : memref<128xf32, #tpu.memory_space<vmem>>)
      %dma_wait3A_213 = arith.constant 128 : i32
      %dma_wait3A_214 = arith.constant 0 : i32
      %dma_wait3A_215 = tpu.memref_slice %arg14[%dma_wait3A_213, %dma_wait3A_214] : memref<1664x16xf32, #tpu.memory_space<vmem>> -> memref<128x16xf32, #tpu.memory_space<vmem>>
      %dma_wait3A_216 = tpu.memref_slice %arg10[%add3A_35] : memref<13312xi32, #tpu.memory_space<vmem>> -> memref<128xi32, #tpu.memory_space<vmem>>
      %dma_wait3A_217 = arith.constant 0 : i32
      %dma_wait3A_218 = arith.constant 0 : i32
      %dma_wait3A_219 = tpu.memref_slice %arg6[%dma_wait3A_217, %dma_wait3A_218] : memref<8000000x16xf32, #tpu.memory_space<hbm>> -> memref<8000000x16xf32, #tpu.memory_space<hbm>>
      tpu.wait_indirect_dma semaphore(%arg18 : memref<!tpu.dma_semaphore, #tpu.memory_space<semaphore_mem>>) src(%dma_wait3A_219 : memref<8000000x16xf32, #tpu.memory_space<hbm>>) dst(%dma_wait3A_215 : memref<128x16xf32, #tpu.memory_space<vmem>>)
      %dma_wait3A_220 = arith.constant 128 : i32
      %dma_wait3A_221 = tpu.memref_slice %arg15[%dma_wait3A_220] : memref<1664xf32, #tpu.memory_space<vmem>> -> memref<128xf32, #tpu.memory_space<vmem>>
      %dma_wait3A_222 = tpu.memref_slice %arg11[%add3A_35] : memref<13312xi32, #tpu.memory_space<vmem>> -> memref<128xi32, #tpu.memory_space<vmem>>
      %dma_wait3A_223 = arith.constant 0 : i32
      %dma_wait3A_224 = tpu.memref_slice %arg7[%dma_wait3A_223] : memref<1000000xf32, #tpu.memory_space<hbm>> -> memref<1000000xf32, #tpu.memory_space<hbm>>
      tpu.wait_indirect_dma semaphore(%arg18 : memref<!tpu.dma_semaphore, #tpu.memory_space<semaphore_mem>>) src(%dma_wait3A_224 : memref<1000000xf32, #tpu.memory_space<hbm>>) dst(%dma_wait3A_221 : memref<128xf32, #tpu.memory_space<vmem>>)
      %dma_wait3A_225 = arith.constant 256 : i32
      %dma_wait3A_226 = arith.constant 0 : i32
      %dma_wait3A_227 = tpu.memref_slice %arg14[%dma_wait3A_225, %dma_wait3A_226] : memref<1664x16xf32, #tpu.memory_space<vmem>> -> memref<128x16xf32, #tpu.memory_space<vmem>>
      %dma_wait3A_228 = tpu.memref_slice %arg10[%add3A_49] : memref<13312xi32, #tpu.memory_space<vmem>> -> memref<128xi32, #tpu.memory_space<vmem>>
      %dma_wait3A_229 = arith.constant 0 : i32
      %dma_wait3A_230 = arith.constant 0 : i32
      %dma_wait3A_231 = tpu.memref_slice %arg6[%dma_wait3A_229, %dma_wait3A_230] : memref<8000000x16xf32, #tpu.memory_space<hbm>> -> memref<8000000x16xf32, #tpu.memory_space<hbm>>
      tpu.wait_indirect_dma semaphore(%arg18 : memref<!tpu.dma_semaphore, #tpu.memory_space<semaphore_mem>>) src(%dma_wait3A_231 : memref<8000000x16xf32, #tpu.memory_space<hbm>>) dst(%dma_wait3A_227 : memref<128x16xf32, #tpu.memory_space<vmem>>)
      %dma_wait3A_232 = arith.constant 256 : i32
      %dma_wait3A_233 = tpu.memref_slice %arg15[%dma_wait3A_232] : memref<1664xf32, #tpu.memory_space<vmem>> -> memref<128xf32, #tpu.memory_space<vmem>>
      %dma_wait3A_234 = tpu.memref_slice %arg11[%add3A_49] : memref<13312xi32, #tpu.memory_space<vmem>> -> memref<128xi32, #tpu.memory_space<vmem>>
      %dma_wait3A_235 = arith.constant 0 : i32
      %dma_wait3A_236 = tpu.memref_slice %arg7[%dma_wait3A_235] : memref<1000000xf32, #tpu.memory_space<hbm>> -> memref<1000000xf32, #tpu.memory_space<hbm>>
      tpu.wait_indirect_dma semaphore(%arg18 : memref<!tpu.dma_semaphore, #tpu.memory_space<semaphore_mem>>) src(%dma_wait3A_236 : memref<1000000xf32, #tpu.memory_space<hbm>>) dst(%dma_wait3A_233 : memref<128xf32, #tpu.memory_space<vmem>>)
      %dma_wait3A_237 = arith.constant 384 : i32
      %dma_wait3A_238 = arith.constant 0 : i32
      %dma_wait3A_239 = tpu.memref_slice %arg14[%dma_wait3A_237, %dma_wait3A_238] : memref<1664x16xf32, #tpu.memory_space<vmem>> -> memref<128x16xf32, #tpu.memory_space<vmem>>
      %dma_wait3A_240 = tpu.memref_slice %arg10[%add3A_63] : memref<13312xi32, #tpu.memory_space<vmem>> -> memref<128xi32, #tpu.memory_space<vmem>>
      %dma_wait3A_241 = arith.constant 0 : i32
      %dma_wait3A_242 = arith.constant 0 : i32
      %dma_wait3A_243 = tpu.memref_slice %arg6[%dma_wait3A_241, %dma_wait3A_242] : memref<8000000x16xf32, #tpu.memory_space<hbm>> -> memref<8000000x16xf32, #tpu.memory_space<hbm>>
      tpu.wait_indirect_dma semaphore(%arg18 : memref<!tpu.dma_semaphore, #tpu.memory_space<semaphore_mem>>) src(%dma_wait3A_243 : memref<8000000x16xf32, #tpu.memory_space<hbm>>) dst(%dma_wait3A_239 : memref<128x16xf32, #tpu.memory_space<vmem>>)
      %dma_wait3A_244 = arith.constant 384 : i32
      %dma_wait3A_245 = tpu.memref_slice %arg15[%dma_wait3A_244] : memref<1664xf32, #tpu.memory_space<vmem>> -> memref<128xf32, #tpu.memory_space<vmem>>
      %dma_wait3A_246 = tpu.memref_slice %arg11[%add3A_63] : memref<13312xi32, #tpu.memory_space<vmem>> -> memref<128xi32, #tpu.memory_space<vmem>>
      %dma_wait3A_247 = arith.constant 0 : i32
      %dma_wait3A_248 = tpu.memref_slice %arg7[%dma_wait3A_247] : memref<1000000xf32, #tpu.memory_space<hbm>> -> memref<1000000xf32, #tpu.memory_space<hbm>>
      tpu.wait_indirect_dma semaphore(%arg18 : memref<!tpu.dma_semaphore, #tpu.memory_space<semaphore_mem>>) src(%dma_wait3A_248 : memref<1000000xf32, #tpu.memory_space<hbm>>) dst(%dma_wait3A_245 : memref<128xf32, #tpu.memory_space<vmem>>)
      %dma_wait3A_249 = arith.constant 512 : i32
      %dma_wait3A_250 = arith.constant 0 : i32
      %dma_wait3A_251 = tpu.memref_slice %arg14[%dma_wait3A_249, %dma_wait3A_250] : memref<1664x16xf32, #tpu.memory_space<vmem>> -> memref<128x16xf32, #tpu.memory_space<vmem>>
      %dma_wait3A_252 = tpu.memref_slice %arg10[%add3A_77] : memref<13312xi32, #tpu.memory_space<vmem>> -> memref<128xi32, #tpu.memory_space<vmem>>
      %dma_wait3A_253 = arith.constant 0 : i32
      %dma_wait3A_254 = arith.constant 0 : i32
      %dma_wait3A_255 = tpu.memref_slice %arg6[%dma_wait3A_253, %dma_wait3A_254] : memref<8000000x16xf32, #tpu.memory_space<hbm>> -> memref<8000000x16xf32, #tpu.memory_space<hbm>>
      tpu.wait_indirect_dma semaphore(%arg18 : memref<!tpu.dma_semaphore, #tpu.memory_space<semaphore_mem>>) src(%dma_wait3A_255 : memref<8000000x16xf32, #tpu.memory_space<hbm>>) dst(%dma_wait3A_251 : memref<128x16xf32, #tpu.memory_space<vmem>>)
      %dma_wait3A_256 = arith.constant 512 : i32
      %dma_wait3A_257 = tpu.memref_slice %arg15[%dma_wait3A_256] : memref<1664xf32, #tpu.memory_space<vmem>> -> memref<128xf32, #tpu.memory_space<vmem>>
      %dma_wait3A_258 = tpu.memref_slice %arg11[%add3A_77] : memref<13312xi32, #tpu.memory_space<vmem>> -> memref<128xi32, #tpu.memory_space<vmem>>
      %dma_wait3A_259 = arith.constant 0 : i32
      %dma_wait3A_260 = tpu.memref_slice %arg7[%dma_wait3A_259] : memref<1000000xf32, #tpu.memory_space<hbm>> -> memref<1000000xf32, #tpu.memory_space<hbm>>
      tpu.wait_indirect_dma semaphore(%arg18 : memref<!tpu.dma_semaphore, #tpu.memory_space<semaphore_mem>>) src(%dma_wait3A_260 : memref<1000000xf32, #tpu.memory_space<hbm>>) dst(%dma_wait3A_257 : memref<128xf32, #tpu.memory_space<vmem>>)
      %dma_wait3A_261 = arith.constant 640 : i32
      %dma_wait3A_262 = arith.constant 0 : i32
      %dma_wait3A_263 = tpu.memref_slice %arg14[%dma_wait3A_261, %dma_wait3A_262] : memref<1664x16xf32, #tpu.memory_space<vmem>> -> memref<128x16xf32, #tpu.memory_space<vmem>>
      %dma_wait3A_264 = tpu.memref_slice %arg10[%add3A_91] : memref<13312xi32, #tpu.memory_space<vmem>> -> memref<128xi32, #tpu.memory_space<vmem>>
      %dma_wait3A_265 = arith.constant 0 : i32
      %dma_wait3A_266 = arith.constant 0 : i32
      %dma_wait3A_267 = tpu.memref_slice %arg6[%dma_wait3A_265, %dma_wait3A_266] : memref<8000000x16xf32, #tpu.memory_space<hbm>> -> memref<8000000x16xf32, #tpu.memory_space<hbm>>
      tpu.wait_indirect_dma semaphore(%arg18 : memref<!tpu.dma_semaphore, #tpu.memory_space<semaphore_mem>>) src(%dma_wait3A_267 : memref<8000000x16xf32, #tpu.memory_space<hbm>>) dst(%dma_wait3A_263 : memref<128x16xf32, #tpu.memory_space<vmem>>)
      %dma_wait3A_268 = arith.constant 640 : i32
      %dma_wait3A_269 = tpu.memref_slice %arg15[%dma_wait3A_268] : memref<1664xf32, #tpu.memory_space<vmem>> -> memref<128xf32, #tpu.memory_space<vmem>>
      %dma_wait3A_270 = tpu.memref_slice %arg11[%add3A_91] : memref<13312xi32, #tpu.memory_space<vmem>> -> memref<128xi32, #tpu.memory_space<vmem>>
      %dma_wait3A_271 = arith.constant 0 : i32
      %dma_wait3A_272 = tpu.memref_slice %arg7[%dma_wait3A_271] : memref<1000000xf32, #tpu.memory_space<hbm>> -> memref<1000000xf32, #tpu.memory_space<hbm>>
      tpu.wait_indirect_dma semaphore(%arg18 : memref<!tpu.dma_semaphore, #tpu.memory_space<semaphore_mem>>) src(%dma_wait3A_272 : memref<1000000xf32, #tpu.memory_space<hbm>>) dst(%dma_wait3A_269 : memref<128xf32, #tpu.memory_space<vmem>>)
      %dma_wait3A_273 = arith.constant 768 : i32
      %dma_wait3A_274 = arith.constant 0 : i32
      %dma_wait3A_275 = tpu.memref_slice %arg14[%dma_wait3A_273, %dma_wait3A_274] : memref<1664x16xf32, #tpu.memory_space<vmem>> -> memref<128x16xf32, #tpu.memory_space<vmem>>
      %dma_wait3A_276 = tpu.memref_slice %arg10[%add3A_105] : memref<13312xi32, #tpu.memory_space<vmem>> -> memref<128xi32, #tpu.memory_space<vmem>>
      %dma_wait3A_277 = arith.constant 0 : i32
      %dma_wait3A_278 = arith.constant 0 : i32
      %dma_wait3A_279 = tpu.memref_slice %arg6[%dma_wait3A_277, %dma_wait3A_278] : memref<8000000x16xf32, #tpu.memory_space<hbm>> -> memref<8000000x16xf32, #tpu.memory_space<hbm>>
      tpu.wait_indirect_dma semaphore(%arg18 : memref<!tpu.dma_semaphore, #tpu.memory_space<semaphore_mem>>) src(%dma_wait3A_279 : memref<8000000x16xf32, #tpu.memory_space<hbm>>) dst(%dma_wait3A_275 : memref<128x16xf32, #tpu.memory_space<vmem>>)
      %dma_wait3A_280 = arith.constant 768 : i32
      %dma_wait3A_281 = tpu.memref_slice %arg15[%dma_wait3A_280] : memref<1664xf32, #tpu.memory_space<vmem>> -> memref<128xf32, #tpu.memory_space<vmem>>
      %dma_wait3A_282 = tpu.memref_slice %arg11[%add3A_105] : memref<13312xi32, #tpu.memory_space<vmem>> -> memref<128xi32, #tpu.memory_space<vmem>>
      %dma_wait3A_283 = arith.constant 0 : i32
      %dma_wait3A_284 = tpu.memref_slice %arg7[%dma_wait3A_283] : memref<1000000xf32, #tpu.memory_space<hbm>> -> memref<1000000xf32, #tpu.memory_space<hbm>>
      tpu.wait_indirect_dma semaphore(%arg18 : memref<!tpu.dma_semaphore, #tpu.memory_space<semaphore_mem>>) src(%dma_wait3A_284 : memref<1000000xf32, #tpu.memory_space<hbm>>) dst(%dma_wait3A_281 : memref<128xf32, #tpu.memory_space<vmem>>)
      %dma_wait3A_285 = arith.constant 896 : i32
      %dma_wait3A_286 = arith.constant 0 : i32
      %dma_wait3A_287 = tpu.memref_slice %arg14[%dma_wait3A_285, %dma_wait3A_286] : memref<1664x16xf32, #tpu.memory_space<vmem>> -> memref<128x16xf32, #tpu.memory_space<vmem>>
      %dma_wait3A_288 = tpu.memref_slice %arg10[%add3A_119] : memref<13312xi32, #tpu.memory_space<vmem>> -> memref<128xi32, #tpu.memory_space<vmem>>
      %dma_wait3A_289 = arith.constant 0 : i32
      %dma_wait3A_290 = arith.constant 0 : i32
      %dma_wait3A_291 = tpu.memref_slice %arg6[%dma_wait3A_289, %dma_wait3A_290] : memref<8000000x16xf32, #tpu.memory_space<hbm>> -> memref<8000000x16xf32, #tpu.memory_space<hbm>>
      tpu.wait_indirect_dma semaphore(%arg18 : memref<!tpu.dma_semaphore, #tpu.memory_space<semaphore_mem>>) src(%dma_wait3A_291 : memref<8000000x16xf32, #tpu.memory_space<hbm>>) dst(%dma_wait3A_287 : memref<128x16xf32, #tpu.memory_space<vmem>>)
      %dma_wait3A_292 = arith.constant 896 : i32
      %dma_wait3A_293 = tpu.memref_slice %arg15[%dma_wait3A_292] : memref<1664xf32, #tpu.memory_space<vmem>> -> memref<128xf32, #tpu.memory_space<vmem>>
      %dma_wait3A_294 = tpu.memref_slice %arg11[%add3A_119] : memref<13312xi32, #tpu.memory_space<vmem>> -> memref<128xi32, #tpu.memory_space<vmem>>
      %dma_wait3A_295 = arith.constant 0 : i32
      %dma_wait3A_296 = tpu.memref_slice %arg7[%dma_wait3A_295] : memref<1000000xf32, #tpu.memory_space<hbm>> -> memref<1000000xf32, #tpu.memory_space<hbm>>
      tpu.wait_indirect_dma semaphore(%arg18 : memref<!tpu.dma_semaphore, #tpu.memory_space<semaphore_mem>>) src(%dma_wait3A_296 : memref<1000000xf32, #tpu.memory_space<hbm>>) dst(%dma_wait3A_293 : memref<128xf32, #tpu.memory_space<vmem>>)
      %dma_wait3A_297 = arith.constant 1024 : i32
      %dma_wait3A_298 = arith.constant 0 : i32
      %dma_wait3A_299 = tpu.memref_slice %arg14[%dma_wait3A_297, %dma_wait3A_298] : memref<1664x16xf32, #tpu.memory_space<vmem>> -> memref<128x16xf32, #tpu.memory_space<vmem>>
      %dma_wait3A_300 = tpu.memref_slice %arg10[%add3A_133] : memref<13312xi32, #tpu.memory_space<vmem>> -> memref<128xi32, #tpu.memory_space<vmem>>
      %dma_wait3A_301 = arith.constant 0 : i32
      %dma_wait3A_302 = arith.constant 0 : i32
      %dma_wait3A_303 = tpu.memref_slice %arg6[%dma_wait3A_301, %dma_wait3A_302] : memref<8000000x16xf32, #tpu.memory_space<hbm>> -> memref<8000000x16xf32, #tpu.memory_space<hbm>>
      tpu.wait_indirect_dma semaphore(%arg18 : memref<!tpu.dma_semaphore, #tpu.memory_space<semaphore_mem>>) src(%dma_wait3A_303 : memref<8000000x16xf32, #tpu.memory_space<hbm>>) dst(%dma_wait3A_299 : memref<128x16xf32, #tpu.memory_space<vmem>>)
      %dma_wait3A_304 = arith.constant 1024 : i32
      %dma_wait3A_305 = tpu.memref_slice %arg15[%dma_wait3A_304] : memref<1664xf32, #tpu.memory_space<vmem>> -> memref<128xf32, #tpu.memory_space<vmem>>
      %dma_wait3A_306 = tpu.memref_slice %arg11[%add3A_133] : memref<13312xi32, #tpu.memory_space<vmem>> -> memref<128xi32, #tpu.memory_space<vmem>>
      %dma_wait3A_307 = arith.constant 0 : i32
      %dma_wait3A_308 = tpu.memref_slice %arg7[%dma_wait3A_307] : memref<1000000xf32, #tpu.memory_space<hbm>> -> memref<1000000xf32, #tpu.memory_space<hbm>>
      tpu.wait_indirect_dma semaphore(%arg18 : memref<!tpu.dma_semaphore, #tpu.memory_space<semaphore_mem>>) src(%dma_wait3A_308 : memref<1000000xf32, #tpu.memory_space<hbm>>) dst(%dma_wait3A_305 : memref<128xf32, #tpu.memory_space<vmem>>)
      %dma_wait3A_309 = arith.constant 1152 : i32
      %dma_wait3A_310 = arith.constant 0 : i32
      %dma_wait3A_311 = tpu.memref_slice %arg14[%dma_wait3A_309, %dma_wait3A_310] : memref<1664x16xf32, #tpu.memory_space<vmem>> -> memref<128x16xf32, #tpu.memory_space<vmem>>
      %dma_wait3A_312 = tpu.memref_slice %arg10[%add3A_147] : memref<13312xi32, #tpu.memory_space<vmem>> -> memref<128xi32, #tpu.memory_space<vmem>>
      %dma_wait3A_313 = arith.constant 0 : i32
      %dma_wait3A_314 = arith.constant 0 : i32
      %dma_wait3A_315 = tpu.memref_slice %arg6[%dma_wait3A_313, %dma_wait3A_314] : memref<8000000x16xf32, #tpu.memory_space<hbm>> -> memref<8000000x16xf32, #tpu.memory_space<hbm>>
      tpu.wait_indirect_dma semaphore(%arg18 : memref<!tpu.dma_semaphore, #tpu.memory_space<semaphore_mem>>) src(%dma_wait3A_315 : memref<8000000x16xf32, #tpu.memory_space<hbm>>) dst(%dma_wait3A_311 : memref<128x16xf32, #tpu.memory_space<vmem>>)
      %dma_wait3A_316 = arith.constant 1152 : i32
      %dma_wait3A_317 = tpu.memref_slice %arg15[%dma_wait3A_316] : memref<1664xf32, #tpu.memory_space<vmem>> -> memref<128xf32, #tpu.memory_space<vmem>>
      %dma_wait3A_318 = tpu.memref_slice %arg11[%add3A_147] : memref<13312xi32, #tpu.memory_space<vmem>> -> memref<128xi32, #tpu.memory_space<vmem>>
      %dma_wait3A_319 = arith.constant 0 : i32
      %dma_wait3A_320 = tpu.memref_slice %arg7[%dma_wait3A_319] : memref<1000000xf32, #tpu.memory_space<hbm>> -> memref<1000000xf32, #tpu.memory_space<hbm>>
      tpu.wait_indirect_dma semaphore(%arg18 : memref<!tpu.dma_semaphore, #tpu.memory_space<semaphore_mem>>) src(%dma_wait3A_320 : memref<1000000xf32, #tpu.memory_space<hbm>>) dst(%dma_wait3A_317 : memref<128xf32, #tpu.memory_space<vmem>>)
      %dma_wait3A_321 = arith.constant 1280 : i32
      %dma_wait3A_322 = arith.constant 0 : i32
      %dma_wait3A_323 = tpu.memref_slice %arg14[%dma_wait3A_321, %dma_wait3A_322] : memref<1664x16xf32, #tpu.memory_space<vmem>> -> memref<128x16xf32, #tpu.memory_space<vmem>>
      %dma_wait3A_324 = tpu.memref_slice %arg10[%add3A_161] : memref<13312xi32, #tpu.memory_space<vmem>> -> memref<128xi32, #tpu.memory_space<vmem>>
      %dma_wait3A_325 = arith.constant 0 : i32
      %dma_wait3A_326 = arith.constant 0 : i32
      %dma_wait3A_327 = tpu.memref_slice %arg6[%dma_wait3A_325, %dma_wait3A_326] : memref<8000000x16xf32, #tpu.memory_space<hbm>> -> memref<8000000x16xf32, #tpu.memory_space<hbm>>
      tpu.wait_indirect_dma semaphore(%arg18 : memref<!tpu.dma_semaphore, #tpu.memory_space<semaphore_mem>>) src(%dma_wait3A_327 : memref<8000000x16xf32, #tpu.memory_space<hbm>>) dst(%dma_wait3A_323 : memref<128x16xf32, #tpu.memory_space<vmem>>)
      %dma_wait3A_328 = arith.constant 1280 : i32
      %dma_wait3A_329 = tpu.memref_slice %arg15[%dma_wait3A_328] : memref<1664xf32, #tpu.memory_space<vmem>> -> memref<128xf32, #tpu.memory_space<vmem>>
      %dma_wait3A_330 = tpu.memref_slice %arg11[%add3A_161] : memref<13312xi32, #tpu.memory_space<vmem>> -> memref<128xi32, #tpu.memory_space<vmem>>
      %dma_wait3A_331 = arith.constant 0 : i32
      %dma_wait3A_332 = tpu.memref_slice %arg7[%dma_wait3A_331] : memref<1000000xf32, #tpu.memory_space<hbm>> -> memref<1000000xf32, #tpu.memory_space<hbm>>
      tpu.wait_indirect_dma semaphore(%arg18 : memref<!tpu.dma_semaphore, #tpu.memory_space<semaphore_mem>>) src(%dma_wait3A_332 : memref<1000000xf32, #tpu.memory_space<hbm>>) dst(%dma_wait3A_329 : memref<128xf32, #tpu.memory_space<vmem>>)
      %dma_wait3A_333 = arith.constant 1408 : i32
      %dma_wait3A_334 = arith.constant 0 : i32
      %dma_wait3A_335 = tpu.memref_slice %arg14[%dma_wait3A_333, %dma_wait3A_334] : memref<1664x16xf32, #tpu.memory_space<vmem>> -> memref<128x16xf32, #tpu.memory_space<vmem>>
      %dma_wait3A_336 = tpu.memref_slice %arg10[%add3A_175] : memref<13312xi32, #tpu.memory_space<vmem>> -> memref<128xi32, #tpu.memory_space<vmem>>
      %dma_wait3A_337 = arith.constant 0 : i32
      %dma_wait3A_338 = arith.constant 0 : i32
      %dma_wait3A_339 = tpu.memref_slice %arg6[%dma_wait3A_337, %dma_wait3A_338] : memref<8000000x16xf32, #tpu.memory_space<hbm>> -> memref<8000000x16xf32, #tpu.memory_space<hbm>>
      tpu.wait_indirect_dma semaphore(%arg18 : memref<!tpu.dma_semaphore, #tpu.memory_space<semaphore_mem>>) src(%dma_wait3A_339 : memref<8000000x16xf32, #tpu.memory_space<hbm>>) dst(%dma_wait3A_335 : memref<128x16xf32, #tpu.memory_space<vmem>>)
      %dma_wait3A_340 = arith.constant 1408 : i32
      %dma_wait3A_341 = tpu.memref_slice %arg15[%dma_wait3A_340] : memref<1664xf32, #tpu.memory_space<vmem>> -> memref<128xf32, #tpu.memory_space<vmem>>
      %dma_wait3A_342 = tpu.memref_slice %arg11[%add3A_175] : memref<13312xi32, #tpu.memory_space<vmem>> -> memref<128xi32, #tpu.memory_space<vmem>>
      %dma_wait3A_343 = arith.constant 0 : i32
      %dma_wait3A_344 = tpu.memref_slice %arg7[%dma_wait3A_343] : memref<1000000xf32, #tpu.memory_space<hbm>> -> memref<1000000xf32, #tpu.memory_space<hbm>>
      tpu.wait_indirect_dma semaphore(%arg18 : memref<!tpu.dma_semaphore, #tpu.memory_space<semaphore_mem>>) src(%dma_wait3A_344 : memref<1000000xf32, #tpu.memory_space<hbm>>) dst(%dma_wait3A_341 : memref<128xf32, #tpu.memory_space<vmem>>)
      %dma_wait3A_345 = arith.constant 1536 : i32
      %dma_wait3A_346 = arith.constant 0 : i32
      %dma_wait3A_347 = tpu.memref_slice %arg14[%dma_wait3A_345, %dma_wait3A_346] : memref<1664x16xf32, #tpu.memory_space<vmem>> -> memref<128x16xf32, #tpu.memory_space<vmem>>
      %dma_wait3A_348 = tpu.memref_slice %arg10[%add3A_189] : memref<13312xi32, #tpu.memory_space<vmem>> -> memref<128xi32, #tpu.memory_space<vmem>>
      %dma_wait3A_349 = arith.constant 0 : i32
      %dma_wait3A_350 = arith.constant 0 : i32
      %dma_wait3A_351 = tpu.memref_slice %arg6[%dma_wait3A_349, %dma_wait3A_350] : memref<8000000x16xf32, #tpu.memory_space<hbm>> -> memref<8000000x16xf32, #tpu.memory_space<hbm>>
      tpu.wait_indirect_dma semaphore(%arg18 : memref<!tpu.dma_semaphore, #tpu.memory_space<semaphore_mem>>) src(%dma_wait3A_351 : memref<8000000x16xf32, #tpu.memory_space<hbm>>) dst(%dma_wait3A_347 : memref<128x16xf32, #tpu.memory_space<vmem>>)
      %dma_wait3A_352 = arith.constant 1536 : i32
      %dma_wait3A_353 = tpu.memref_slice %arg15[%dma_wait3A_352] : memref<1664xf32, #tpu.memory_space<vmem>> -> memref<128xf32, #tpu.memory_space<vmem>>
      %dma_wait3A_354 = tpu.memref_slice %arg11[%add3A_189] : memref<13312xi32, #tpu.memory_space<vmem>> -> memref<128xi32, #tpu.memory_space<vmem>>
      %dma_wait3A_355 = arith.constant 0 : i32
      %dma_wait3A_356 = tpu.memref_slice %arg7[%dma_wait3A_355] : memref<1000000xf32, #tpu.memory_space<hbm>> -> memref<1000000xf32, #tpu.memory_space<hbm>>
      tpu.wait_indirect_dma semaphore(%arg18 : memref<!tpu.dma_semaphore, #tpu.memory_space<semaphore_mem>>) src(%dma_wait3A_356 : memref<1000000xf32, #tpu.memory_space<hbm>>) dst(%dma_wait3A_353 : memref<128xf32, #tpu.memory_space<vmem>>)
      %scan3A_357 = arith.constant 0 : i32
      %scan3A_358 = arith.constant 0 : i32
      %scan3A_359 = arith.constant 104 : i32
      %scan3A_360 = arith.addi %scan3A_358, %scan3A_359 : i32
      %scan3A_361 = arith.constant 1 : i32
      scf.for %scan3A_369 = %scan3A_358 to %scan3A_360 step %scan3A_361  : i32 {
        %mul3A_370 = arith.constant 16 : i32
        %mul3A_371 = arith.muli %scan3A_369, %mul3A_370 : i32
        %get3A = arith.index_cast %mul3A_371 : i32 to index
        %get3A_372 = tpu.vector_load %arg15[%get3A] {strides = array<i32>} : memref<1664xf32, #tpu.memory_space<vmem>>, vector<16xf32>,
        %get3A_373 = vector.shape_cast %get3A_372 : vector<16xf32> to vector<16xf32>
        %mul3A_374 = arith.constant 16 : i32
        %mul3A_375 = arith.muli %scan3A_369, %mul3A_374 : i32
        %add3A_376 = arith.addi %mul3A_20, %mul3A_375 : i32
        %get3A_377 = arith.index_cast %add3A_376 : i32 to index
        %get3A_378 = tpu.vector_load %arg12[%get3A_377] {strides = array<i32>} : memref<13312xf32, #tpu.memory_space<vmem>>, vector<16xf32>,
        %get3A_379 = vector.shape_cast %get3A_378 : vector<16xf32> to vector<16xf32>
        %mul3A_380 = arith.mulf %get3A_373, %get3A_379 : vector<16xf32>
        %mul3A_381 = arith.constant 16 : i32
        %mul3A_382 = arith.muli %scan3A_369, %mul3A_381 : i32
        %add3A_383 = arith.addi %mul3A_20, %mul3A_382 : i32
        %swap3A = arith.index_cast %add3A_383 : i32 to index
        %swap3A_384 = tpu.vector_load %arg17[%swap3A] {strides = array<i32>} : memref<13312xf32, #tpu.memory_space<vmem>>, vector<16xf32>,
        %swap3A_385 = vector.shape_cast %swap3A_384 : vector<16xf32> to vector<16xf32>
        %swap3A_386 = vector.shape_cast %mul3A_380 : vector<16xf32> to vector<16xf32>
        tpu.vector_store %arg17[%swap3A], %swap3A_386 {strides = array<i32>} : memref<13312xf32, #tpu.memory_space<vmem>>, vector<16xf32>,
      }
      %scan3A_362 = arith.constant 104 : i32
      %scan3A_363 = arith.constant 0 : i32
      %scan3A_364 = arith.constant 0 : i32
      %scan3A_365 = arith.constant 64 : i32
      %scan3A_366 = arith.addi %scan3A_364, %scan3A_365 : i32
      %scan3A_367 = arith.constant 1 : i32
      scf.for %scan3A_369 = %scan3A_364 to %scan3A_366 step %scan3A_367  : i32 {
        %mul3A_370 = arith.constant 26 : i32
        %mul3A_371 = arith.muli %scan3A_369, %mul3A_370 : i32
        %mul3A_372 = arith.constant 2048 : i32
        %mul3A_373 = arith.muli %scan3A_18, %mul3A_372 : i32
        %mul3A_374 = arith.constant 32 : i32
        %mul3A_375 = arith.muli %scan3A_369, %mul3A_374 : i32
        %add3A_376 = arith.addi %mul3A_373, %mul3A_375 : i32
        %get3A = arith.index_cast %add3A_376 : i32 to index
        %get3A_377 = tpu.vector_load %arg13[%get3A] {strides = array<i32>} : memref<16384xf32, #tpu.memory_space<vmem>>, vector<16xf32>,
        %get3A_378 = vector.shape_cast %get3A_377 : vector<16xf32> to vector<16xf32>
        %add3A_379 = arith.constant 16 : i32
        %add3A_380 = arith.addi %add3A_376, %add3A_379 : i32
        %get3A_381 = arith.index_cast %add3A_380 : i32 to index
        %get3A_382 = tpu.vector_load %arg13[%get3A_381] {strides = array<i32>} : memref<16384xf32, #tpu.memory_space<vmem>>, vector<16xf32>,
        %get3A_383 = vector.shape_cast %get3A_382 : vector<16xf32> to vector<16xf32>
        %broadcast_in_dim3A = arith.constant 0.000000e+00 : f32
        %broadcast_in_dim3A_384 = vector.broadcast %broadcast_in_dim3A : f32 to vector<16xf32>
        %broadcast_in_dim3A_385 = arith.constant 0.000000e+00 : f32
        %broadcast_in_dim3A_386 = vector.broadcast %broadcast_in_dim3A_385 : f32 to vector<16xf32>
        %slice3A = vector.extract_strided_slice %get3A_378 {offsets = [0], sizes = [1], strides = [1]} : vector<16xf32> to vector<1xf32>
        %squeeze3A = vector.extract %slice3A[0] : f32 from vector<1xf32>
        %add3A_387 = arith.constant 0 : i32
        %add3A_388 = arith.addi %mul3A_371, %add3A_387 : i32
        %get3A_389 = arith.index_cast %add3A_388 : i32 to index
        %get3A_390 = arith.constant 0 : index
        %get3A_391 = tpu.vector_load %arg14[%get3A_389, %get3A_390] {strides = array<i32>} : memref<1664x16xf32, #tpu.memory_space<vmem>>, vector<1x16xf32>,
        %get3A_392 = vector.shape_cast %get3A_391 : vector<1x16xf32> to vector<16xf32>
        %mul3A_393 = vector.broadcast %squeeze3A : f32 to vector<16xf32>
        %mul3A_394 = arith.mulf %get3A_392, %mul3A_393 : vector<16xf32>
        %add3A_395 = arith.addf %broadcast_in_dim3A_384, %mul3A_394 : vector<16xf32>
        %mul3A_396 = arith.mulf %mul3A_394, %mul3A_394 : vector<16xf32>
        %add3A_397 = arith.addf %broadcast_in_dim3A_386, %mul3A_396 : vector<16xf32>
        %slice3A_398 = vector.extract_strided_slice %get3A_378 {offsets = [1], sizes = [1], strides = [1]} : vector<16xf32> to vector<1xf32>
        %squeeze3A_399 = vector.extract %slice3A_398[0] : f32 from vector<1xf32>
        %add3A_400 = arith.constant 1 : i32
        %add3A_401 = arith.addi %mul3A_371, %add3A_400 : i32
        %get3A_402 = arith.index_cast %add3A_401 : i32 to index
        %get3A_403 = arith.constant 0 : index
        %get3A_404 = tpu.vector_load %arg14[%get3A_402, %get3A_403] {strides = array<i32>} : memref<1664x16xf32, #tpu.memory_space<vmem>>, vector<1x16xf32>,
        %get3A_405 = vector.shape_cast %get3A_404 : vector<1x16xf32> to vector<16xf32>
        %mul3A_406 = vector.broadcast %squeeze3A_399 : f32 to vector<16xf32>
        %mul3A_407 = arith.mulf %get3A_405, %mul3A_406 : vector<16xf32>
        %add3A_408 = arith.addf %add3A_395, %mul3A_407 : vector<16xf32>
        %mul3A_409 = arith.mulf %mul3A_407, %mul3A_407 : vector<16xf32>
        %add3A_410 = arith.addf %add3A_397, %mul3A_409 : vector<16xf32>
        %slice3A_411 = vector.extract_strided_slice %get3A_378 {offsets = [2], sizes = [1], strides = [1]} : vector<16xf32> to vector<1xf32>
        %squeeze3A_412 = vector.extract %slice3A_411[0] : f32 from vector<1xf32>
        %add3A_413 = arith.constant 2 : i32
        %add3A_414 = arith.addi %mul3A_371, %add3A_413 : i32
        %get3A_415 = arith.index_cast %add3A_414 : i32 to index
        %get3A_416 = arith.constant 0 : index
        %get3A_417 = tpu.vector_load %arg14[%get3A_415, %get3A_416] {strides = array<i32>} : memref<1664x16xf32, #tpu.memory_space<vmem>>, vector<1x16xf32>,
        %get3A_418 = vector.shape_cast %get3A_417 : vector<1x16xf32> to vector<16xf32>
        %mul3A_419 = vector.broadcast %squeeze3A_412 : f32 to vector<16xf32>
        %mul3A_420 = arith.mulf %get3A_418, %mul3A_419 : vector<16xf32>
        %add3A_421 = arith.addf %add3A_408, %mul3A_420 : vector<16xf32>
        %mul3A_422 = arith.mulf %mul3A_420, %mul3A_420 : vector<16xf32>
        %add3A_423 = arith.addf %add3A_410, %mul3A_422 : vector<16xf32>
        %slice3A_424 = vector.extract_strided_slice %get3A_378 {offsets = [3], sizes = [1], strides = [1]} : vector<16xf32> to vector<1xf32>
        %squeeze3A_425 = vector.extract %slice3A_424[0] : f32 from vector<1xf32>
        %add3A_426 = arith.constant 3 : i32
        %add3A_427 = arith.addi %mul3A_371, %add3A_426 : i32
        %get3A_428 = arith.index_cast %add3A_427 : i32 to index
        %get3A_429 = arith.constant 0 : index
        %get3A_430 = tpu.vector_load %arg14[%get3A_428, %get3A_429] {strides = array<i32>} : memref<1664x16xf32, #tpu.memory_space<vmem>>, vector<1x16xf32>,
        %get3A_431 = vector.shape_cast %get3A_430 : vector<1x16xf32> to vector<16xf32>
        %mul3A_432 = vector.broadcast %squeeze3A_425 : f32 to vector<16xf32>
        %mul3A_433 = arith.mulf %get3A_431, %mul3A_432 : vector<16xf32>
        %add3A_434 = arith.addf %add3A_421, %mul3A_433 : vector<16xf32>
        %mul3A_435 = arith.mulf %mul3A_433, %mul3A_433 : vector<16xf32>
        %add3A_436 = arith.addf %add3A_423, %mul3A_435 : vector<16xf32>
        %slice3A_437 = vector.extract_strided_slice %get3A_378 {offsets = [4], sizes = [1], strides = [1]} : vector<16xf32> to vector<1xf32>
        %squeeze3A_438 = vector.extract %slice3A_437[0] : f32 from vector<1xf32>
        %add3A_439 = arith.constant 4 : i32
        %add3A_440 = arith.addi %mul3A_371, %add3A_439 : i32
        %get3A_441 = arith.index_cast %add3A_440 : i32 to index
        %get3A_442 = arith.constant 0 : index
        %get3A_443 = tpu.vector_load %arg14[%get3A_441, %get3A_442] {strides = array<i32>} : memref<1664x16xf32, #tpu.memory_space<vmem>>, vector<1x16xf32>,
        %get3A_444 = vector.shape_cast %get3A_443 : vector<1x16xf32> to vector<16xf32>
        %mul3A_445 = vector.broadcast %squeeze3A_438 : f32 to vector<16xf32>
        %mul3A_446 = arith.mulf %get3A_444, %mul3A_445 : vector<16xf32>
        %add3A_447 = arith.addf %add3A_434, %mul3A_446 : vector<16xf32>
        %mul3A_448 = arith.mulf %mul3A_446, %mul3A_446 : vector<16xf32>
        %add3A_449 = arith.addf %add3A_436, %mul3A_448 : vector<16xf32>
        %slice3A_450 = vector.extract_strided_slice %get3A_378 {offsets = [5], sizes = [1], strides = [1]} : vector<16xf32> to vector<1xf32>
        %squeeze3A_451 = vector.extract %slice3A_450[0] : f32 from vector<1xf32>
        %add3A_452 = arith.constant 5 : i32
        %add3A_453 = arith.addi %mul3A_371, %add3A_452 : i32
        %get3A_454 = arith.index_cast %add3A_453 : i32 to index
        %get3A_455 = arith.constant 0 : index
        %get3A_456 = tpu.vector_load %arg14[%get3A_454, %get3A_455] {strides = array<i32>} : memref<1664x16xf32, #tpu.memory_space<vmem>>, vector<1x16xf32>,
        %get3A_457 = vector.shape_cast %get3A_456 : vector<1x16xf32> to vector<16xf32>
        %mul3A_458 = vector.broadcast %squeeze3A_451 : f32 to vector<16xf32>
        %mul3A_459 = arith.mulf %get3A_457, %mul3A_458 : vector<16xf32>
        %add3A_460 = arith.addf %add3A_447, %mul3A_459 : vector<16xf32>
        %mul3A_461 = arith.mulf %mul3A_459, %mul3A_459 : vector<16xf32>
        %add3A_462 = arith.addf %add3A_449, %mul3A_461 : vector<16xf32>
        %slice3A_463 = vector.extract_strided_slice %get3A_378 {offsets = [6], sizes = [1], strides = [1]} : vector<16xf32> to vector<1xf32>
        %squeeze3A_464 = vector.extract %slice3A_463[0] : f32 from vector<1xf32>
        %add3A_465 = arith.constant 6 : i32
        %add3A_466 = arith.addi %mul3A_371, %add3A_465 : i32
        %get3A_467 = arith.index_cast %add3A_466 : i32 to index
        %get3A_468 = arith.constant 0 : index
        %get3A_469 = tpu.vector_load %arg14[%get3A_467, %get3A_468] {strides = array<i32>} : memref<1664x16xf32, #tpu.memory_space<vmem>>, vector<1x16xf32>,
        %get3A_470 = vector.shape_cast %get3A_469 : vector<1x16xf32> to vector<16xf32>
        %mul3A_471 = vector.broadcast %squeeze3A_464 : f32 to vector<16xf32>
        %mul3A_472 = arith.mulf %get3A_470, %mul3A_471 : vector<16xf32>
        %add3A_473 = arith.addf %add3A_460, %mul3A_472 : vector<16xf32>
        %mul3A_474 = arith.mulf %mul3A_472, %mul3A_472 : vector<16xf32>
        %add3A_475 = arith.addf %add3A_462, %mul3A_474 : vector<16xf32>
        %slice3A_476 = vector.extract_strided_slice %get3A_378 {offsets = [7], sizes = [1], strides = [1]} : vector<16xf32> to vector<1xf32>
        %squeeze3A_477 = vector.extract %slice3A_476[0] : f32 from vector<1xf32>
        %add3A_478 = arith.constant 7 : i32
        %add3A_479 = arith.addi %mul3A_371, %add3A_478 : i32
        %get3A_480 = arith.index_cast %add3A_479 : i32 to index
        %get3A_481 = arith.constant 0 : index
        %get3A_482 = tpu.vector_load %arg14[%get3A_480, %get3A_481] {strides = array<i32>} : memref<1664x16xf32, #tpu.memory_space<vmem>>, vector<1x16xf32>,
        %get3A_483 = vector.shape_cast %get3A_482 : vector<1x16xf32> to vector<16xf32>
        %mul3A_484 = vector.broadcast %squeeze3A_477 : f32 to vector<16xf32>
        %mul3A_485 = arith.mulf %get3A_483, %mul3A_484 : vector<16xf32>
        %add3A_486 = arith.addf %add3A_473, %mul3A_485 : vector<16xf32>
        %mul3A_487 = arith.mulf %mul3A_485, %mul3A_485 : vector<16xf32>
        %add3A_488 = arith.addf %add3A_475, %mul3A_487 : vector<16xf32>
        %slice3A_489 = vector.extract_strided_slice %get3A_378 {offsets = [8], sizes = [1], strides = [1]} : vector<16xf32> to vector<1xf32>
        %squeeze3A_490 = vector.extract %slice3A_489[0] : f32 from vector<1xf32>
        %add3A_491 = arith.constant 8 : i32
        %add3A_492 = arith.addi %mul3A_371, %add3A_491 : i32
        %get3A_493 = arith.index_cast %add3A_492 : i32 to index
        %get3A_494 = arith.constant 0 : index
        %get3A_495 = tpu.vector_load %arg14[%get3A_493, %get3A_494] {strides = array<i32>} : memref<1664x16xf32, #tpu.memory_space<vmem>>, vector<1x16xf32>,
        %get3A_496 = vector.shape_cast %get3A_495 : vector<1x16xf32> to vector<16xf32>
        %mul3A_497 = vector.broadcast %squeeze3A_490 : f32 to vector<16xf32>
        %mul3A_498 = arith.mulf %get3A_496, %mul3A_497 : vector<16xf32>
        %add3A_499 = arith.addf %add3A_486, %mul3A_498 : vector<16xf32>
        %mul3A_500 = arith.mulf %mul3A_498, %mul3A_498 : vector<16xf32>
        %add3A_501 = arith.addf %add3A_488, %mul3A_500 : vector<16xf32>
        %slice3A_502 = vector.extract_strided_slice %get3A_378 {offsets = [9], sizes = [1], strides = [1]} : vector<16xf32> to vector<1xf32>
        %squeeze3A_503 = vector.extract %slice3A_502[0] : f32 from vector<1xf32>
        %add3A_504 = arith.constant 9 : i32
        %add3A_505 = arith.addi %mul3A_371, %add3A_504 : i32
        %get3A_506 = arith.index_cast %add3A_505 : i32 to index
        %get3A_507 = arith.constant 0 : index
        %get3A_508 = tpu.vector_load %arg14[%get3A_506, %get3A_507] {strides = array<i32>} : memref<1664x16xf32, #tpu.memory_space<vmem>>, vector<1x16xf32>,
        %get3A_509 = vector.shape_cast %get3A_508 : vector<1x16xf32> to vector<16xf32>
        %mul3A_510 = vector.broadcast %squeeze3A_503 : f32 to vector<16xf32>
        %mul3A_511 = arith.mulf %get3A_509, %mul3A_510 : vector<16xf32>
        %add3A_512 = arith.addf %add3A_499, %mul3A_511 : vector<16xf32>
        %mul3A_513 = arith.mulf %mul3A_511, %mul3A_511 : vector<16xf32>
        %add3A_514 = arith.addf %add3A_501, %mul3A_513 : vector<16xf32>
        %slice3A_515 = vector.extract_strided_slice %get3A_378 {offsets = [10], sizes = [1], strides = [1]} : vector<16xf32> to vector<1xf32>
        %squeeze3A_516 = vector.extract %slice3A_515[0] : f32 from vector<1xf32>
        %add3A_517 = arith.constant 10 : i32
        %add3A_518 = arith.addi %mul3A_371, %add3A_517 : i32
        %get3A_519 = arith.index_cast %add3A_518 : i32 to index
        %get3A_520 = arith.constant 0 : index
        %get3A_521 = tpu.vector_load %arg14[%get3A_519, %get3A_520] {strides = array<i32>} : memref<1664x16xf32, #tpu.memory_space<vmem>>, vector<1x16xf32>,
        %get3A_522 = vector.shape_cast %get3A_521 : vector<1x16xf32> to vector<16xf32>
        %mul3A_523 = vector.broadcast %squeeze3A_516 : f32 to vector<16xf32>
        %mul3A_524 = arith.mulf %get3A_522, %mul3A_523 : vector<16xf32>
        %add3A_525 = arith.addf %add3A_512, %mul3A_524 : vector<16xf32>
        %mul3A_526 = arith.mulf %mul3A_524, %mul3A_524 : vector<16xf32>
        %add3A_527 = arith.addf %add3A_514, %mul3A_526 : vector<16xf32>
        %slice3A_528 = vector.extract_strided_slice %get3A_378 {offsets = [11], sizes = [1], strides = [1]} : vector<16xf32> to vector<1xf32>
        %squeeze3A_529 = vector.extract %slice3A_528[0] : f32 from vector<1xf32>
        %add3A_530 = arith.constant 11 : i32
        %add3A_531 = arith.addi %mul3A_371, %add3A_530 : i32
        %get3A_532 = arith.index_cast %add3A_531 : i32 to index
        %get3A_533 = arith.constant 0 : index
        %get3A_534 = tpu.vector_load %arg14[%get3A_532, %get3A_533] {strides = array<i32>} : memref<1664x16xf32, #tpu.memory_space<vmem>>, vector<1x16xf32>,
        %get3A_535 = vector.shape_cast %get3A_534 : vector<1x16xf32> to vector<16xf32>
        %mul3A_536 = vector.broadcast %squeeze3A_529 : f32 to vector<16xf32>
        %mul3A_537 = arith.mulf %get3A_535, %mul3A_536 : vector<16xf32>
        %add3A_538 = arith.addf %add3A_525, %mul3A_537 : vector<16xf32>
        %mul3A_539 = arith.mulf %mul3A_537, %mul3A_537 : vector<16xf32>
        %add3A_540 = arith.addf %add3A_527, %mul3A_539 : vector<16xf32>
        %slice3A_541 = vector.extract_strided_slice %get3A_378 {offsets = [12], sizes = [1], strides = [1]} : vector<16xf32> to vector<1xf32>
        %squeeze3A_542 = vector.extract %slice3A_541[0] : f32 from vector<1xf32>
        %add3A_543 = arith.constant 12 : i32
        %add3A_544 = arith.addi %mul3A_371, %add3A_543 : i32
        %get3A_545 = arith.index_cast %add3A_544 : i32 to index
        %get3A_546 = arith.constant 0 : index
        %get3A_547 = tpu.vector_load %arg14[%get3A_545, %get3A_546] {strides = array<i32>} : memref<1664x16xf32, #tpu.memory_space<vmem>>, vector<1x16xf32>,
        %get3A_548 = vector.shape_cast %get3A_547 : vector<1x16xf32> to vector<16xf32>
        %mul3A_549 = vector.broadcast %squeeze3A_542 : f32 to vector<16xf32>
        %mul3A_550 = arith.mulf %get3A_548, %mul3A_549 : vector<16xf32>
        %add3A_551 = arith.addf %add3A_538, %mul3A_550 : vector<16xf32>
        %mul3A_552 = arith.mulf %mul3A_550, %mul3A_550 : vector<16xf32>
        %add3A_553 = arith.addf %add3A_540, %mul3A_552 : vector<16xf32>
        %slice3A_554 = vector.extract_strided_slice %get3A_378 {offsets = [13], sizes = [1], strides = [1]} : vector<16xf32> to vector<1xf32>
        %squeeze3A_555 = vector.extract %slice3A_554[0] : f32 from vector<1xf32>
        %add3A_556 = arith.constant 13 : i32
        %add3A_557 = arith.addi %mul3A_371, %add3A_556 : i32
        %get3A_558 = arith.index_cast %add3A_557 : i32 to index
        %get3A_559 = arith.constant 0 : index
        %get3A_560 = tpu.vector_load %arg14[%get3A_558, %get3A_559] {strides = array<i32>} : memref<1664x16xf32, #tpu.memory_space<vmem>>, vector<1x16xf32>,
        %get3A_561 = vector.shape_cast %get3A_560 : vector<1x16xf32> to vector<16xf32>
        %mul3A_562 = vector.broadcast %squeeze3A_555 : f32 to vector<16xf32>
        %mul3A_563 = arith.mulf %get3A_561, %mul3A_562 : vector<16xf32>
        %add3A_564 = arith.addf %add3A_551, %mul3A_563 : vector<16xf32>
        %mul3A_565 = arith.mulf %mul3A_563, %mul3A_563 : vector<16xf32>
        %add3A_566 = arith.addf %add3A_553, %mul3A_565 : vector<16xf32>
        %slice3A_567 = vector.extract_strided_slice %get3A_378 {offsets = [14], sizes = [1], strides = [1]} : vector<16xf32> to vector<1xf32>
        %squeeze3A_568 = vector.extract %slice3A_567[0] : f32 from vector<1xf32>
        %add3A_569 = arith.constant 14 : i32
        %add3A_570 = arith.addi %mul3A_371, %add3A_569 : i32
        %get3A_571 = arith.index_cast %add3A_570 : i32 to index
        %get3A_572 = arith.constant 0 : index
        %get3A_573 = tpu.vector_load %arg14[%get3A_571, %get3A_572] {strides = array<i32>} : memref<1664x16xf32, #tpu.memory_space<vmem>>, vector<1x16xf32>,
        %get3A_574 = vector.shape_cast %get3A_573 : vector<1x16xf32> to vector<16xf32>
        %mul3A_575 = vector.broadcast %squeeze3A_568 : f32 to vector<16xf32>
        %mul3A_576 = arith.mulf %get3A_574, %mul3A_575 : vector<16xf32>
        %add3A_577 = arith.addf %add3A_564, %mul3A_576 : vector<16xf32>
        %mul3A_578 = arith.mulf %mul3A_576, %mul3A_576 : vector<16xf32>
        %add3A_579 = arith.addf %add3A_566, %mul3A_578 : vector<16xf32>
        %slice3A_580 = vector.extract_strided_slice %get3A_378 {offsets = [15], sizes = [1], strides = [1]} : vector<16xf32> to vector<1xf32>
        %squeeze3A_581 = vector.extract %slice3A_580[0] : f32 from vector<1xf32>
        %add3A_582 = arith.constant 15 : i32
        %add3A_583 = arith.addi %mul3A_371, %add3A_582 : i32
        %get3A_584 = arith.index_cast %add3A_583 : i32 to index
        %get3A_585 = arith.constant 0 : index
        %get3A_586 = tpu.vector_load %arg14[%get3A_584, %get3A_585] {strides = array<i32>} : memref<1664x16xf32, #tpu.memory_space<vmem>>, vector<1x16xf32>,
        %get3A_587 = vector.shape_cast %get3A_586 : vector<1x16xf32> to vector<16xf32>
        %mul3A_588 = vector.broadcast %squeeze3A_581 : f32 to vector<16xf32>
        %mul3A_589 = arith.mulf %get3A_587, %mul3A_588 : vector<16xf32>
        %add3A_590 = arith.addf %add3A_577, %mul3A_589 : vector<16xf32>
        %mul3A_591 = arith.mulf %mul3A_589, %mul3A_589 : vector<16xf32>
        %add3A_592 = arith.addf %add3A_579, %mul3A_591 : vector<16xf32>
        %slice3A_593 = vector.extract_strided_slice %get3A_383 {offsets = [0], sizes = [1], strides = [1]} : vector<16xf32> to vector<1xf32>
        %squeeze3A_594 = vector.extract %slice3A_593[0] : f32 from vector<1xf32>
        %add3A_595 = arith.constant 16 : i32
        %add3A_596 = arith.addi %mul3A_371, %add3A_595 : i32
        %get3A_597 = arith.index_cast %add3A_596 : i32 to index
        %get3A_598 = arith.constant 0 : index
        %get3A_599 = tpu.vector_load %arg14[%get3A_597, %get3A_598] {strides = array<i32>} : memref<1664x16xf32, #tpu.memory_space<vmem>>, vector<1x16xf32>,
        %get3A_600 = vector.shape_cast %get3A_599 : vector<1x16xf32> to vector<16xf32>
        %mul3A_601 = vector.broadcast %squeeze3A_594 : f32 to vector<16xf32>
        %mul3A_602 = arith.mulf %get3A_600, %mul3A_601 : vector<16xf32>
        %add3A_603 = arith.addf %add3A_590, %mul3A_602 : vector<16xf32>
        %mul3A_604 = arith.mulf %mul3A_602, %mul3A_602 : vector<16xf32>
        %add3A_605 = arith.addf %add3A_592, %mul3A_604 : vector<16xf32>
        %slice3A_606 = vector.extract_strided_slice %get3A_383 {offsets = [1], sizes = [1], strides = [1]} : vector<16xf32> to vector<1xf32>
        %squeeze3A_607 = vector.extract %slice3A_606[0] : f32 from vector<1xf32>
        %add3A_608 = arith.constant 17 : i32
        %add3A_609 = arith.addi %mul3A_371, %add3A_608 : i32
        %get3A_610 = arith.index_cast %add3A_609 : i32 to index
        %get3A_611 = arith.constant 0 : index
        %get3A_612 = tpu.vector_load %arg14[%get3A_610, %get3A_611] {strides = array<i32>} : memref<1664x16xf32, #tpu.memory_space<vmem>>, vector<1x16xf32>,
        %get3A_613 = vector.shape_cast %get3A_612 : vector<1x16xf32> to vector<16xf32>
        %mul3A_614 = vector.broadcast %squeeze3A_607 : f32 to vector<16xf32>
        %mul3A_615 = arith.mulf %get3A_613, %mul3A_614 : vector<16xf32>
        %add3A_616 = arith.addf %add3A_603, %mul3A_615 : vector<16xf32>
        %mul3A_617 = arith.mulf %mul3A_615, %mul3A_615 : vector<16xf32>
        %add3A_618 = arith.addf %add3A_605, %mul3A_617 : vector<16xf32>
        %slice3A_619 = vector.extract_strided_slice %get3A_383 {offsets = [2], sizes = [1], strides = [1]} : vector<16xf32> to vector<1xf32>
        %squeeze3A_620 = vector.extract %slice3A_619[0] : f32 from vector<1xf32>
        %add3A_621 = arith.constant 18 : i32
        %add3A_622 = arith.addi %mul3A_371, %add3A_621 : i32
        %get3A_623 = arith.index_cast %add3A_622 : i32 to index
        %get3A_624 = arith.constant 0 : index
        %get3A_625 = tpu.vector_load %arg14[%get3A_623, %get3A_624] {strides = array<i32>} : memref<1664x16xf32, #tpu.memory_space<vmem>>, vector<1x16xf32>,
        %get3A_626 = vector.shape_cast %get3A_625 : vector<1x16xf32> to vector<16xf32>
        %mul3A_627 = vector.broadcast %squeeze3A_620 : f32 to vector<16xf32>
        %mul3A_628 = arith.mulf %get3A_626, %mul3A_627 : vector<16xf32>
        %add3A_629 = arith.addf %add3A_616, %mul3A_628 : vector<16xf32>
        %mul3A_630 = arith.mulf %mul3A_628, %mul3A_628 : vector<16xf32>
        %add3A_631 = arith.addf %add3A_618, %mul3A_630 : vector<16xf32>
        %slice3A_632 = vector.extract_strided_slice %get3A_383 {offsets = [3], sizes = [1], strides = [1]} : vector<16xf32> to vector<1xf32>
        %squeeze3A_633 = vector.extract %slice3A_632[0] : f32 from vector<1xf32>
        %add3A_634 = arith.constant 19 : i32
        %add3A_635 = arith.addi %mul3A_371, %add3A_634 : i32
        %get3A_636 = arith.index_cast %add3A_635 : i32 to index
        %get3A_637 = arith.constant 0 : index
        %get3A_638 = tpu.vector_load %arg14[%get3A_636, %get3A_637] {strides = array<i32>} : memref<1664x16xf32, #tpu.memory_space<vmem>>, vector<1x16xf32>,
        %get3A_639 = vector.shape_cast %get3A_638 : vector<1x16xf32> to vector<16xf32>
        %mul3A_640 = vector.broadcast %squeeze3A_633 : f32 to vector<16xf32>
        %mul3A_641 = arith.mulf %get3A_639, %mul3A_640 : vector<16xf32>
        %add3A_642 = arith.addf %add3A_629, %mul3A_641 : vector<16xf32>
        %mul3A_643 = arith.mulf %mul3A_641, %mul3A_641 : vector<16xf32>
        %add3A_644 = arith.addf %add3A_631, %mul3A_643 : vector<16xf32>
        %slice3A_645 = vector.extract_strided_slice %get3A_383 {offsets = [4], sizes = [1], strides = [1]} : vector<16xf32> to vector<1xf32>
        %squeeze3A_646 = vector.extract %slice3A_645[0] : f32 from vector<1xf32>
        %add3A_647 = arith.constant 20 : i32
        %add3A_648 = arith.addi %mul3A_371, %add3A_647 : i32
        %get3A_649 = arith.index_cast %add3A_648 : i32 to index
        %get3A_650 = arith.constant 0 : index
        %get3A_651 = tpu.vector_load %arg14[%get3A_649, %get3A_650] {strides = array<i32>} : memref<1664x16xf32, #tpu.memory_space<vmem>>, vector<1x16xf32>,
        %get3A_652 = vector.shape_cast %get3A_651 : vector<1x16xf32> to vector<16xf32>
        %mul3A_653 = vector.broadcast %squeeze3A_646 : f32 to vector<16xf32>
        %mul3A_654 = arith.mulf %get3A_652, %mul3A_653 : vector<16xf32>
        %add3A_655 = arith.addf %add3A_642, %mul3A_654 : vector<16xf32>
        %mul3A_656 = arith.mulf %mul3A_654, %mul3A_654 : vector<16xf32>
        %add3A_657 = arith.addf %add3A_644, %mul3A_656 : vector<16xf32>
        %slice3A_658 = vector.extract_strided_slice %get3A_383 {offsets = [5], sizes = [1], strides = [1]} : vector<16xf32> to vector<1xf32>
        %squeeze3A_659 = vector.extract %slice3A_658[0] : f32 from vector<1xf32>
        %add3A_660 = arith.constant 21 : i32
        %add3A_661 = arith.addi %mul3A_371, %add3A_660 : i32
        %get3A_662 = arith.index_cast %add3A_661 : i32 to index
        %get3A_663 = arith.constant 0 : index
        %get3A_664 = tpu.vector_load %arg14[%get3A_662, %get3A_663] {strides = array<i32>} : memref<1664x16xf32, #tpu.memory_space<vmem>>, vector<1x16xf32>,
        %get3A_665 = vector.shape_cast %get3A_664 : vector<1x16xf32> to vector<16xf32>
        %mul3A_666 = vector.broadcast %squeeze3A_659 : f32 to vector<16xf32>
        %mul3A_667 = arith.mulf %get3A_665, %mul3A_666 : vector<16xf32>
        %add3A_668 = arith.addf %add3A_655, %mul3A_667 : vector<16xf32>
        %mul3A_669 = arith.mulf %mul3A_667, %mul3A_667 : vector<16xf32>
        %add3A_670 = arith.addf %add3A_657, %mul3A_669 : vector<16xf32>
        %slice3A_671 = vector.extract_strided_slice %get3A_383 {offsets = [6], sizes = [1], strides = [1]} : vector<16xf32> to vector<1xf32>
        %squeeze3A_672 = vector.extract %slice3A_671[0] : f32 from vector<1xf32>
        %add3A_673 = arith.constant 22 : i32
        %add3A_674 = arith.addi %mul3A_371, %add3A_673 : i32
        %get3A_675 = arith.index_cast %add3A_674 : i32 to index
        %get3A_676 = arith.constant 0 : index
        %get3A_677 = tpu.vector_load %arg14[%get3A_675, %get3A_676] {strides = array<i32>} : memref<1664x16xf32, #tpu.memory_space<vmem>>, vector<1x16xf32>,
        %get3A_678 = vector.shape_cast %get3A_677 : vector<1x16xf32> to vector<16xf32>
        %mul3A_679 = vector.broadcast %squeeze3A_672 : f32 to vector<16xf32>
        %mul3A_680 = arith.mulf %get3A_678, %mul3A_679 : vector<16xf32>
        %add3A_681 = arith.addf %add3A_668, %mul3A_680 : vector<16xf32>
        %mul3A_682 = arith.mulf %mul3A_680, %mul3A_680 : vector<16xf32>
        %add3A_683 = arith.addf %add3A_670, %mul3A_682 : vector<16xf32>
        %slice3A_684 = vector.extract_strided_slice %get3A_383 {offsets = [7], sizes = [1], strides = [1]} : vector<16xf32> to vector<1xf32>
        %squeeze3A_685 = vector.extract %slice3A_684[0] : f32 from vector<1xf32>
        %add3A_686 = arith.constant 23 : i32
        %add3A_687 = arith.addi %mul3A_371, %add3A_686 : i32
        %get3A_688 = arith.index_cast %add3A_687 : i32 to index
        %get3A_689 = arith.constant 0 : index
        %get3A_690 = tpu.vector_load %arg14[%get3A_688, %get3A_689] {strides = array<i32>} : memref<1664x16xf32, #tpu.memory_space<vmem>>, vector<1x16xf32>,
        %get3A_691 = vector.shape_cast %get3A_690 : vector<1x16xf32> to vector<16xf32>
        %mul3A_692 = vector.broadcast %squeeze3A_685 : f32 to vector<16xf32>
        %mul3A_693 = arith.mulf %get3A_691, %mul3A_692 : vector<16xf32>
        %add3A_694 = arith.addf %add3A_681, %mul3A_693 : vector<16xf32>
        %mul3A_695 = arith.mulf %mul3A_693, %mul3A_693 : vector<16xf32>
        %add3A_696 = arith.addf %add3A_683, %mul3A_695 : vector<16xf32>
        %slice3A_697 = vector.extract_strided_slice %get3A_383 {offsets = [8], sizes = [1], strides = [1]} : vector<16xf32> to vector<1xf32>
        %squeeze3A_698 = vector.extract %slice3A_697[0] : f32 from vector<1xf32>
        %add3A_699 = arith.constant 24 : i32
        %add3A_700 = arith.addi %mul3A_371, %add3A_699 : i32
        %get3A_701 = arith.index_cast %add3A_700 : i32 to index
        %get3A_702 = arith.constant 0 : index
        %get3A_703 = tpu.vector_load %arg14[%get3A_701, %get3A_702] {strides = array<i32>} : memref<1664x16xf32, #tpu.memory_space<vmem>>, vector<1x16xf32>,
        %get3A_704 = vector.shape_cast %get3A_703 : vector<1x16xf32> to vector<16xf32>
        %mul3A_705 = vector.broadcast %squeeze3A_698 : f32 to vector<16xf32>
        %mul3A_706 = arith.mulf %get3A_704, %mul3A_705 : vector<16xf32>
        %add3A_707 = arith.addf %add3A_694, %mul3A_706 : vector<16xf32>
        %mul3A_708 = arith.mulf %mul3A_706, %mul3A_706 : vector<16xf32>
        %add3A_709 = arith.addf %add3A_696, %mul3A_708 : vector<16xf32>
        %slice3A_710 = vector.extract_strided_slice %get3A_383 {offsets = [9], sizes = [1], strides = [1]} : vector<16xf32> to vector<1xf32>
        %squeeze3A_711 = vector.extract %slice3A_710[0] : f32 from vector<1xf32>
        %add3A_712 = arith.constant 25 : i32
        %add3A_713 = arith.addi %mul3A_371, %add3A_712 : i32
        %get3A_714 = arith.index_cast %add3A_713 : i32 to index
        %get3A_715 = arith.constant 0 : index
        %get3A_716 = tpu.vector_load %arg14[%get3A_714, %get3A_715] {strides = array<i32>} : memref<1664x16xf32, #tpu.memory_space<vmem>>, vector<1x16xf32>,
        %get3A_717 = vector.shape_cast %get3A_716 : vector<1x16xf32> to vector<16xf32>
        %mul3A_718 = vector.broadcast %squeeze3A_711 : f32 to vector<16xf32>
        %mul3A_719 = arith.mulf %get3A_717, %mul3A_718 : vector<16xf32>
        %add3A_720 = arith.addf %add3A_707, %mul3A_719 : vector<16xf32>
        %mul3A_721 = arith.mulf %mul3A_719, %mul3A_719 : vector<16xf32>
        %add3A_722 = arith.addf %add3A_709, %mul3A_721 : vector<16xf32>
        %mul3A_723 = arith.mulf %add3A_720, %add3A_720 : vector<16xf32>
        %sub3A = arith.subf %mul3A_723, %add3A_722 : vector<16xf32>
        %mul3A_724 = arith.constant 5.000000e-01 : f32
        %mul3A_725 = vector.broadcast %mul3A_724 : f32 to vector<16xf32>
        %mul3A_726 = arith.mulf %mul3A_725, %sub3A : vector<16xf32>
        %mul3A_727 = arith.constant 64 : i32
        %mul3A_728 = arith.muli %scan3A_18, %mul3A_727 : i32
        %add3A_729 = arith.addi %mul3A_728, %scan3A_369 : i32
        %swap3A = arith.index_cast %add3A_729 : i32 to index
        %swap3A_730 = arith.constant 0 : index
        %swap3A_731 = tpu.vector_load %arg16[%swap3A, %swap3A_730] {strides = array<i32>} : memref<512x16xf32, #tpu.memory_space<vmem>>, vector<1x16xf32>,
        %swap3A_732 = vector.shape_cast %swap3A_731 : vector<1x16xf32> to vector<16xf32>
        %swap3A_733 = vector.shape_cast %mul3A_726 : vector<16xf32> to vector<1x16xf32>
        tpu.vector_store %arg16[%swap3A, %swap3A_730], %swap3A_733 {strides = array<i32>} : memref<512x16xf32, #tpu.memory_space<vmem>>, vector<1x16xf32>,
      }
      %scan3A_368 = arith.constant 64 : i32
    }
    %scan3A_15 = arith.constant 8 : i32
    "tpu.region"() ({
      %run_scoped3A = tpu.sem_alloc : memref<!tpu.dma_semaphore, #tpu.memory_space<semaphore_mem>>
      %dma_start3A = arith.constant 0 : i32
      %dma_start3A_18 = tpu.memref_slice %arg8[%mul3A_2, %dma_start3A] : memref<16384x16xf32, #tpu.memory_space<hbm>> -> memref<512x16xf32, #tpu.memory_space<hbm>>
      %dma_start3A_19 = arith.constant 0 : i32
      %dma_start3A_20 = tpu.memref_slice %arg8[%mul3A_2, %dma_start3A_19] : memref<16384x16xf32, #tpu.memory_space<hbm>> -> memref<512x16xf32, #tpu.memory_space<hbm>>
      tpu.enqueue_dma source(%arg16 : memref<512x16xf32, #tpu.memory_space<vmem>>) target(%dma_start3A_20 : memref<512x16xf32, #tpu.memory_space<hbm>>) target_semaphore(%run_scoped3A : memref<!tpu.dma_semaphore, #tpu.memory_space<semaphore_mem>>)
      %dma_wait3A = arith.constant 0 : i32
      %dma_wait3A_21 = tpu.memref_slice %arg8[%mul3A_2, %dma_wait3A] : memref<16384x16xf32, #tpu.memory_space<hbm>> -> memref<512x16xf32, #tpu.memory_space<hbm>>
      %dma_wait3A_22 = arith.constant 0 : i32
      %dma_wait3A_23 = tpu.memref_slice %arg8[%mul3A_2, %dma_wait3A_22] : memref<16384x16xf32, #tpu.memory_space<hbm>> -> memref<512x16xf32, #tpu.memory_space<hbm>>
      tpu.wait_dma2 semaphore(%run_scoped3A : memref<!tpu.dma_semaphore, #tpu.memory_space<semaphore_mem>>) src(%arg16 : memref<512x16xf32, #tpu.memory_space<vmem>>) dst(%dma_wait3A_23 : memref<512x16xf32, #tpu.memory_space<hbm>>)
      tpu.yield
    }) : () -> ()
    %mul3A_16 = arith.constant 26 : i32
    %mul3A_17 = arith.muli %mul3A_2, %mul3A_16 : i32
    "tpu.region"() ({
      %run_scoped3A = tpu.sem_alloc : memref<!tpu.dma_semaphore, #tpu.memory_space<semaphore_mem>>
      %dma_start3A = tpu.memref_slice %arg9[%mul3A_17] : memref<425984xf32, #tpu.memory_space<hbm>> -> memref<13312xf32, #tpu.memory_space<hbm>>
      %dma_start3A_18 = tpu.memref_slice %arg9[%mul3A_17] : memref<425984xf32, #tpu.memory_space<hbm>> -> memref<13312xf32, #tpu.memory_space<hbm>>
      tpu.enqueue_dma source(%arg17 : memref<13312xf32, #tpu.memory_space<vmem>>) target(%dma_start3A_18 : memref<13312xf32, #tpu.memory_space<hbm>>) target_semaphore(%run_scoped3A : memref<!tpu.dma_semaphore, #tpu.memory_space<semaphore_mem>>)
      %dma_wait3A = tpu.memref_slice %arg9[%mul3A_17] : memref<425984xf32, #tpu.memory_space<hbm>> -> memref<13312xf32, #tpu.memory_space<hbm>>
      %dma_wait3A_19 = tpu.memref_slice %arg9[%mul3A_17] : memref<425984xf32, #tpu.memory_space<hbm>> -> memref<13312xf32, #tpu.memory_space<hbm>>
      tpu.wait_dma2 semaphore(%run_scoped3A : memref<!tpu.dma_semaphore, #tpu.memory_space<semaphore_mem>>) src(%arg17 : memref<13312xf32, #tpu.memory_space<vmem>>) dst(%dma_wait3A_19 : memref<13312xf32, #tpu.memory_space<hbm>>)
      tpu.yield
    }) : () -> ()
    return
  }
}

module attributes {stable_mosaic.version = 14 : i64} {
  func.func @_repack_body(%arg0: i32, %arg1: memref<16x8192xf32, #tpu.memory_space<vmem>>, %arg2: memref<1x8192xf32, #tpu.memory_space<vmem>>, %arg3: memref<8192x128xf32, #tpu.memory_space<vmem>>, %arg4: memref<8192xf32, #tpu.memory_space<vmem>>) attributes {dimension_semantics = [#tpu.dimension_semantics<arbitrary>], iteration_bounds = array<i64: 123>, scalar_prefetch = 0 : i64, scratch_operands = 0 : i64, tpu.core_type = #tpu.core_type<tc>, window_params = [{transform_indices = @transform_0, window_bounds = array<i64: 16, 8192>}, {transform_indices = @transform_1, window_bounds = array<i64: 1, 8192>}, {transform_indices = @transform_2, window_bounds = array<i64: 8192, 128>}, {transform_indices = @transform_3, window_bounds = array<i64: 8192>}]} {
    %get3A = arith.constant 0 : index
    %get3A_0 = arith.constant 0 : index
    %get3A_1 = vector.load %arg1[%get3A, %get3A_0] : memref<16x8192xf32, #tpu.memory_space<vmem>>, vector<16x8192xf32>
    %transpose3A = tpu.transpose %get3A_1, [1, 0] : vector<16x8192xf32> -> vector<8192x16xf32>
    %swap3A = arith.constant 0 : index
    %swap3A_2 = arith.constant 0 : index
    %swap3A_3 = vector.load %arg3[%swap3A, %swap3A_2] : memref<8192x128xf32, #tpu.memory_space<vmem>>, vector<8192x16xf32>
    tpu.vector_store %arg3[%swap3A, %swap3A_2], %transpose3A {strides = array<i32>} : memref<8192x128xf32, #tpu.memory_space<vmem>>, vector<8192x16xf32>,
    %get3A_4 = arith.constant 0 : index
    %get3A_5 = arith.constant 0 : index
    %get3A_6 = vector.load %arg2[%get3A_4, %get3A_5] : memref<1x8192xf32, #tpu.memory_space<vmem>>, vector<1x8192xf32>
    %reshape3A = vector.shape_cast %get3A_6 : vector<1x8192xf32> to vector<8192xf32>
    %swap3A_7 = arith.constant 0 : index
    %swap3A_8 = vector.load %arg4[%swap3A_7] : memref<8192xf32, #tpu.memory_space<vmem>>, vector<8192xf32>
    tpu.vector_store %arg4[%swap3A_7], %reshape3A {strides = array<i32>} : memref<8192xf32, #tpu.memory_space<vmem>>, vector<8192xf32>,
    return
  }
  func.func @transform_0(%arg0: i32) -> (i32, i32) {
    %c0_i32 = arith.constant 0 : i32
    %c0_i32_0 = arith.constant 0 : i32
    return %c0_i32, %arg0 : i32, i32
  }
  func.func @transform_1(%arg0: i32) -> (i32, i32) {
    %c0_i32 = arith.constant 0 : i32
    %c0_i32_0 = arith.constant 0 : i32
    return %c0_i32, %arg0 : i32, i32
  }
  func.func @transform_2(%arg0: i32) -> (i32, i32) {
    %c0_i32 = arith.constant 0 : i32
    %c0_i32_0 = arith.constant 0 : i32
    return %arg0, %c0_i32 : i32, i32
  }
  func.func @transform_3(%arg0: i32) -> i32 {
    %c0_i32 = arith.constant 0 : i32
    return %arg0 : i32
  }
}

module attributes {stable_mosaic.version = 14 : i64} {
  func.func @_mlp_body(%arg0: i32, %arg1: memref<2048x16xf32, #tpu.memory_space<vmem>>, %arg2: memref<2048x26xf32, #tpu.memory_space<vmem>>, %arg3: memref<16x64xf32, #tpu.memory_space<vmem>>, %arg4: memref<1x64xf32, #tpu.memory_space<vmem>>, %arg5: memref<64x32xf32, #tpu.memory_space<vmem>>, %arg6: memref<1x32xf32, #tpu.memory_space<vmem>>, %arg7: memref<32x1xf32, #tpu.memory_space<vmem>>, %arg8: memref<1x1xf32, #tpu.memory_space<vmem>>, %arg9: memref<2048x26xf32, #tpu.memory_space<vmem>>) attributes {dimension_semantics = [#tpu.dimension_semantics<arbitrary>], iteration_bounds = array<i64: 8>, scalar_prefetch = 0 : i64, scratch_operands = 0 : i64, tpu.core_type = #tpu.core_type<tc>, window_params = [{transform_indices = @transform_0, window_bounds = array<i64: 2048, 16>}, {transform_indices = @transform_1, window_bounds = array<i64: 2048, 26>}, {pipeline_mode = #tpu.pipeline_mode<synchronous>, transform_indices = @transform_2, window_bounds = array<i64: 16, 64>}, {pipeline_mode = #tpu.pipeline_mode<synchronous>, transform_indices = @transform_3, window_bounds = array<i64: 1, 64>}, {pipeline_mode = #tpu.pipeline_mode<synchronous>, transform_indices = @transform_4, window_bounds = array<i64: 64, 32>}, {pipeline_mode = #tpu.pipeline_mode<synchronous>, transform_indices = @transform_5, window_bounds = array<i64: 1, 32>}, {pipeline_mode = #tpu.pipeline_mode<synchronous>, transform_indices = @transform_6, window_bounds = array<i64: 32, 1>}, {pipeline_mode = #tpu.pipeline_mode<synchronous>, transform_indices = @transform_7, window_bounds = array<i64: 1, 1>}, {transform_indices = @transform_8, window_bounds = array<i64: 2048, 26>}]} {
    %get3A = arith.constant 0 : index
    %get3A_0 = arith.constant 0 : index
    %get3A_1 = vector.load %arg1[%get3A, %get3A_0] : memref<2048x16xf32, #tpu.memory_space<vmem>>, vector<2048x16xf32>
    %get3A_2 = arith.constant 0 : index
    %get3A_3 = arith.constant 0 : index
    %get3A_4 = vector.load %arg3[%get3A_2, %get3A_3] : memref<16x64xf32, #tpu.memory_space<vmem>>, vector<16x64xf32>
    %dot_general3A = arith.constant dense<0.000000e+00> : vector<2048x64xf32>
    %dot_general3A_5 = tpu.matmul %get3A_1, %get3A_4, %dot_general3A {dimension_numbers = #tpu.dot_dimension_numbers<[1], [0], [0], [1], [0, 0, 1, 1], [], []>, transpose_lhs_hint = false} : vector<2048x16xf32>, vector<16x64xf32>, vector<2048x64xf32> -> vector<2048x64xf32>
    %get3A_6 = arith.constant 0 : index
    %get3A_7 = arith.constant 0 : index
    %get3A_8 = vector.load %arg4[%get3A_6, %get3A_7] : memref<1x64xf32, #tpu.memory_space<vmem>>, vector<1x64xf32>
    %add3A = vector.broadcast %get3A_8 : vector<1x64xf32> to vector<2048x64xf32>
    %add3A_9 = arith.addf %dot_general3A_5, %add3A : vector<2048x64xf32>
    %max3A = arith.constant 0.000000e+00 : f32
    %max3A_10 = vector.broadcast %max3A : f32 to vector<2048x64xf32>
    %max3A_11 = arith.maximumf %add3A_9, %max3A_10 : vector<2048x64xf32>
    %get3A_12 = arith.constant 0 : index
    %get3A_13 = arith.constant 0 : index
    %get3A_14 = vector.load %arg5[%get3A_12, %get3A_13] : memref<64x32xf32, #tpu.memory_space<vmem>>, vector<64x32xf32>
    %dot_general3A_15 = arith.constant dense<0.000000e+00> : vector<2048x32xf32>
    %dot_general3A_16 = tpu.matmul %max3A_11, %get3A_14, %dot_general3A_15 {dimension_numbers = #tpu.dot_dimension_numbers<[1], [0], [0], [1], [0, 0, 1, 1], [], []>, transpose_lhs_hint = false} : vector<2048x64xf32>, vector<64x32xf32>, vector<2048x32xf32> -> vector<2048x32xf32>
    %get3A_17 = arith.constant 0 : index
    %get3A_18 = arith.constant 0 : index
    %get3A_19 = vector.load %arg6[%get3A_17, %get3A_18] : memref<1x32xf32, #tpu.memory_space<vmem>>, vector<1x32xf32>
    %add3A_20 = vector.broadcast %get3A_19 : vector<1x32xf32> to vector<2048x32xf32>
    %add3A_21 = arith.addf %dot_general3A_16, %add3A_20 : vector<2048x32xf32>
    %max3A_22 = arith.constant 0.000000e+00 : f32
    %max3A_23 = vector.broadcast %max3A_22 : f32 to vector<2048x32xf32>
    %max3A_24 = arith.maximumf %add3A_21, %max3A_23 : vector<2048x32xf32>
    %get3A_25 = arith.constant 0 : index
    %get3A_26 = arith.constant 0 : index
    %get3A_27 = vector.load %arg7[%get3A_25, %get3A_26] : memref<32x1xf32, #tpu.memory_space<vmem>>, vector<32x1xf32>
    %dot_general3A_28 = arith.constant dense<0.000000e+00> : vector<2048x1xf32>
    %dot_general3A_29 = tpu.matmul %max3A_24, %get3A_27, %dot_general3A_28 {dimension_numbers = #tpu.dot_dimension_numbers<[1], [0], [0], [1], [0, 0, 1, 1], [], []>, transpose_lhs_hint = false} : vector<2048x32xf32>, vector<32x1xf32>, vector<2048x1xf32> -> vector<2048x1xf32>
    %get3A_30 = arith.constant 0 : index
    %get3A_31 = arith.constant 0 : index
    %get3A_32 = vector.load %arg2[%get3A_30, %get3A_31] : memref<2048x26xf32, #tpu.memory_space<vmem>>, vector<2048x26xf32>
    %get3A_33 = arith.constant 0 : index
    %get3A_34 = arith.constant 0 : index
    %get3A_35 = vector.load %arg8[%get3A_33, %get3A_34] : memref<1x1xf32, #tpu.memory_space<vmem>>, vector<1x1xf32>
    %add3A_36 = vector.broadcast %get3A_35 : vector<1x1xf32> to vector<2048x1xf32>
    %add3A_37 = arith.addf %dot_general3A_29, %add3A_36 : vector<2048x1xf32>
    %add3A_38 = vector.broadcast %add3A_37 : vector<2048x1xf32> to vector<2048x26xf32>
    %add3A_39 = arith.addf %get3A_32, %add3A_38 : vector<2048x26xf32>
    %swap3A = arith.constant 0 : index
    %swap3A_40 = arith.constant 0 : index
    %swap3A_41 = vector.load %arg9[%swap3A, %swap3A_40] : memref<2048x26xf32, #tpu.memory_space<vmem>>, vector<2048x26xf32>
    tpu.vector_store %arg9[%swap3A, %swap3A_40], %add3A_39 {strides = array<i32>} : memref<2048x26xf32, #tpu.memory_space<vmem>>, vector<2048x26xf32>,
    return
  }
  func.func @transform_0(%arg0: i32) -> (i32, i32) {
    %c0_i32 = arith.constant 0 : i32
    %c0_i32_0 = arith.constant 0 : i32
    return %arg0, %c0_i32 : i32, i32
  }
  func.func @transform_1(%arg0: i32) -> (i32, i32) {
    %c0_i32 = arith.constant 0 : i32
    %c0_i32_0 = arith.constant 0 : i32
    return %arg0, %c0_i32 : i32, i32
  }
  func.func @transform_2(%arg0: i32) -> (i32, i32) {
    %c0_i32 = arith.constant 0 : i32
    %c0_i32_0 = arith.constant 0 : i32
    %c0_i32_1 = arith.constant 0 : i32
    return %c0_i32, %c0_i32_0 : i32, i32
  }
  func.func @transform_3(%arg0: i32) -> (i32, i32) {
    %c0_i32 = arith.constant 0 : i32
    %c0_i32_0 = arith.constant 0 : i32
    %c0_i32_1 = arith.constant 0 : i32
    return %c0_i32, %c0_i32_0 : i32, i32
  }
  func.func @transform_4(%arg0: i32) -> (i32, i32) {
    %c0_i32 = arith.constant 0 : i32
    %c0_i32_0 = arith.constant 0 : i32
    %c0_i32_1 = arith.constant 0 : i32
    return %c0_i32, %c0_i32_0 : i32, i32
  }
  func.func @transform_5(%arg0: i32) -> (i32, i32) {
    %c0_i32 = arith.constant 0 : i32
    %c0_i32_0 = arith.constant 0 : i32
    %c0_i32_1 = arith.constant 0 : i32
    return %c0_i32, %c0_i32_0 : i32, i32
  }
  func.func @transform_6(%arg0: i32) -> (i32, i32) {
    %c0_i32 = arith.constant 0 : i32
    %c0_i32_0 = arith.constant 0 : i32
    %c0_i32_1 = arith.constant 0 : i32
    return %c0_i32, %c0_i32_0 : i32, i32
  }
  func.func @transform_7(%arg0: i32) -> (i32, i32) {
    %c0_i32 = arith.constant 0 : i32
    %c0_i32_0 = arith.constant 0 : i32
    %c0_i32_1 = arith.constant 0 : i32
    return %c0_i32, %c0_i32_0 : i32, i32
  }
  func.func @transform_8(%arg0: i32) -> (i32, i32) {
    %c0_i32 = arith.constant 0 : i32
    %c0_i32_0 = arith.constant 0 : i32
    return %arg0, %c0_i32 : i32, i32
  }
}

</mosaic_0001>

<sc_bundles>
// kernel: kernel.5.cloned.1.call-start
scs
__scs_entry_jumppad:
0x0: {  	(pc) =	sbr.rel $0x88, $3  }
0x1: {  	(tag) =	ssettag $0x0;
	lr =	simm.s32 $0x1  }
0x2: {  	[smem:$0x3F96] =	sst lr;
	_ =	strace $0xD0000000  }
0x3: {  	_ = 	snop  }
0x4: {  	_ = 	snop  }
0x5: {  	_ = 	snop  }
0x6: {  	_ = 	snop  }
0x7: {  	_ = 	snop  }
__scs_overlays_trampoline_lowered:
0x8: {  	[smem:$0x3FA5] =	sst s0  }
0x9: {  	[smem:$0x3FA6] =	sst s1  }
0xa: {  	[smem:$0x3FA7] =	sst s2  }
0xb: {  	[smem:$0x3FA8] =	sst s3  }
0xc: {  	[smem:$0x3FA9] =	sst s4  }
0xd: {  	[smem:$0x3FAA] =	sst s5  }
0xe: {  	[smem:$0x3FAB] =	sst s6  }
0xf: {  	[smem:$0x3FAC] =	sst s7  }
0x10: {  	[smem:$0x3FAD] =	sst s8  }
0x11: {  	[smem:$0x3FAE] =	sst s9;
	s0 =	simm.s32 @!p0 $0x0  }
0x12: {  	s1 =	sld [smem:$0x3F94];
	s0 =	simm.s32 @p0 $0x1  }
0x13: {  	[smem:$0x3FAF] =	sst s0;
	s0 =	simm.s32 @!p1 $0x0  }
0x14: {  	s2 =	sld [smem:$0x3F93];
	s0 =	simm.s32 @p1 $0x1  }
0x15: {  	[smem:$0x3FB0] =	sst s0;
	s0 =	simm.s32 @!p2 $0x0  }
0x16: {  	s3 =	sld [smem:$0x3FDB];
	s0 =	simm.s32 @p2 $0x1  }
0x17: {  	s4 =	simm.s32 $0x1BF5;
	[smem:$0x3FB2] =	sst s0  }
0x18: {  	s0 =	sld [smem:$0x3F95];
	_ =	swait.ge [sflag:s4], $0x0  }
0x19: {  	s7 =	sld [smem:$0x3F96]  }
0x1a: {  	s8 =	sadd.s32 $0xFFFFE003, lr  }
0x1b: {  	s9 =	sadd.s32 $0xFFFFFEF7, lr;
	s5 =	simm.s32 $0xFFFFFFFF;
	p2 =	slt.u32 s8, $0xFFFFF086  }
0x1c: {  	p1 =	slt.u32 s9, $0xF7A;
	s5 =	simm.s32 @!p2 $0x0  }
0x1d: {  	s5 =	simm.s32 @p1 $0x1;
	p0 =	seq.s32 s7, s2  }
0x1e: {  	s7 =	smul.u32 @!p0 $0xF7A, s2;
	p2 =	seq.s32 @!p0 s5, $0x0  }
0x1f: {  	s9 =	smul.u32 $0xF7A, s1;
	s8 =	simm.s32 @!p0 $0x1BF5;
	p2 =	por !p2, p0  }
0x20: {  	[sflag:s8] =	ssyncset.s32 @!p0 $0xFFFFF086;
	s6 =	sadd.s32 @!p0 s3, s7;
	s7 =	simm.s32 @!p0 $0x108  }
0x21: {  	s3 =	sadd.s32 s3, s9;
	s6 =	sadd.s32 @!p0 $0x88, s6;
	s7 =	simm.s32 @p2 $0x1082  }
0x22: {  	[simem:s7], [sflag:s8] =	dma.local @!p0 [hbm:s6], $0xF7A  }
0x23: {  	s9 =	sor.u32 $0xD0000000, s2;
	s6 =	simm.s32 $0x108;
	_ =	swait.ge @!p0 [sflag:s8], $0x0  }
0x24: {  	s3 =	sadd.s32 $0x88, s3;
	s6 =	simm.s32 @!p1 $0x1082;
	[sflag:s4] =	ssyncset.s32 $0xFFFFF086  }
0x25: {  	[simem:s6], [sflag:s4] =	dma.local [hbm:s3], $0xF7A  }
0x26: {  	[smem:$0x3F96] =	sst s1;
	(tag) =	ssettag s2;
	_ =	strace s9  }
0x27: {  	s1 =	sld [smem:$0x3FA6]  }
0x28: {  	s2 =	sld [smem:$0x3FA7]  }
0x29: {  	s4 =	sld [smem:$0x3FA9]  }
0x2a: {  	p0 =	seq.s32 s5, $0x0;
	s5 =	sld [smem:$0x3FAA]  }
0x2b: {  	s6 =	sld [smem:$0x3FAB]  }
0x2c: {  	s7 =	sld [smem:$0x3FAC]  }
0x2d: {  	s3 =	simm.s32 $0x108;
	s8 =	sld [smem:$0x3FAD]  }
0x2e: {  	s3 =	simm.s32 @!p0 $0x1082;
	s9 =	sld [smem:$0x3FAE]  }
0x2f: {  	lr =	sadd.s32 s0, s3;
	s0 =	sld [smem:$0x3FA5]  }
0x30: {  	s3 =	sld [smem:$0x3FA8]  }
0x31: {  	[smem:$0x3FB1] =	sst s10  }
0x32: {  	s10 =	sld [smem:$0x3FAF];
	_ =	sdelay $0x3  }
0x33: {  	p0 =	seq.s32 s10, $0x1;
	s10 =	sld [smem:$0x3FB1];
	_ =	sdelay $0x3  }
0x34: {  	[smem:$0x3FB1] =	sst s10  }
0x35: {  	s10 =	sld [smem:$0x3FB0];
	_ =	sdelay $0x3  }
0x36: {  	p1 =	seq.s32 s10, $0x1;
	s10 =	sld [smem:$0x3FB1];
	_ =	sdelay $0x3  }
0x37: {  	[smem:$0x3FB1] =	sst s10  }
0x38: {  	s10 =	sld [smem:$0x3FB2]  }
0x39: {  	_ = 	snop;
	(pc) =	sbr.ind lr, $3  }
0x3a: {  	_ = 	snop  }
0x3b: {  	_ = 	snop  }
0x3c: {  	p2 =	seq.s32 s10, $0x1;
	s10 =	sld [smem:$0x3FB1]  }
0x3d: {  	_ =	shalt  }
0x3e: {  	_ =	shalt  }
0x3f: {  	_ =	shalt  }
0x40: {  	_ =	shalt  }
0x41: {  	_ =	shalt  }
0x42: {  	_ =	shalt  }
0x43: {  	_ =	shalt  }
0x44: {  	_ =	shalt  }
0x45: {  	_ =	shalt  }
0x46: {  	_ =	shalt  }
0x47: {  	_ =	shalt  }
0x48: {  	_ =	shalt  }
0x49: {  	_ =	shalt  }
0x4a: {  	_ =	shalt  }
0x4b: {  	_ =	shalt  }
0x4c: {  	_ =	shalt  }
0x4d: {  	_ =	shalt  }
0x4e: {  	_ =	shalt  }
0x4f: {  	_ =	shalt  }
0x50: {  	_ =	shalt  }
0x51: {  	_ =	shalt  }
0x52: {  	_ =	shalt  }
0x53: {  	_ =	shalt  }
0x54: {  	_ =	shalt  }
0x55: {  	_ =	shalt  }
0x56: {  	_ =	shalt  }
0x57: {  	_ =	shalt  }
0x58: {  	_ =	shalt  }
0x59: {  	_ =	shalt  }
0x5a: {  	_ =	shalt  }
0x5b: {  	_ =	shalt  }
0x5c: {  	_ =	shalt  }
0x5d: {  	_ =	shalt  }
0x5e: {  	_ =	shalt  }
0x5f: {  	_ =	shalt  }
0x60: {  	_ =	shalt  }
0x61: {  	_ =	shalt  }
0x62: {  	_ =	shalt  }
0x63: {  	_ =	shalt  }
0x64: {  	_ =	shalt  }
0x65: {  	_ =	shalt  }
0x66: {  	_ =	shalt  }
0x67: {  	_ =	shalt  }
0x68: {  	_ =	shalt  }
0x69: {  	_ =	shalt  }
0x6a: {  	_ =	shalt  }
0x6b: {  	_ =	shalt  }
0x6c: {  	_ =	shalt  }
0x6d: {  	_ =	shalt  }
0x6e: {  	_ =	shalt  }
0x6f: {  	_ =	shalt  }
0x70: {  	_ =	shalt  }
0x71: {  	_ =	shalt  }
0x72: {  	_ =	shalt  }
0x73: {  	_ =	shalt  }
0x74: {  	_ =	shalt  }
0x75: {  	_ =	shalt  }
0x76: {  	_ =	shalt  }
0x77: {  	_ =	shalt  }
0x78: {  	_ =	shalt  }
0x79: {  	_ =	shalt  }
0x7a: {  	_ =	shalt  }
0x7b: {  	_ =	shalt  }
0x7c: {  	_ =	shalt  }
0x7d: {  	_ =	shalt  }
0x7e: {  	_ =	shalt  }
0x7f: {  	_ =	shalt  }
0x80: {  	_ =	shalt  }
0x81: {  	_ =	shalt  }
0x82: {  	_ =	shalt  }
0x83: {  	_ =	shalt  }
0x84: {  	_ =	shalt  }
0x85: {  	_ =	shalt  }
0x86: {  	_ =	shalt  }
0x87: {  	_ =	shalt  }
.Lfunc_end0:
.L_simem_size_0:
called_computation_lowered:
.L_overlay_start_0:
0x88: {  	s2 =	sld [smem:$0x3FD9]  }
0x89: {  	s3 =	sld [smem:$0x3FFE];
	_ =	sdelay $0x1  }
0x8a: {  	s1 =	srdreg.scid  }
0x8b: {  	s0 =	sand.u32 $0x1, s1  }
0x8c: {  	s17 =	sshll.u32 s0, $0xA;
	s2 =	sadd.s32 s3, s2  }
0x8d: {  	s2 =	sadd.s32 s2, s17  }
0x8e: {  	[smem:$0x3FBD] =	sst s2  }
0x8f: {  	_ = 	snop  }
0x90: {  	s2 =	sld [smem:$0x3FD0];
	(tm) =	ssettm $0x1  }
0x91: {  	s18 =	sld [smem:$0x3FFB];
	_ =	sdelay $0x3  }
0x92: {  	_ =	strace s18  }
0x93: {  	s3 =	sld [smem:$0x3FFC];
	_ =	sdelay $0x3  }
0x94: {  	_ =	strace s3  }
0x95: {  	s3 =	sld [smem:$0x3FFD];
	_ =	sdelay $0x3  }
0x96: {  	_ =	strace s3  }
0x97: {  	_ =	strace $0x8FFFFFFF  }
0x98: {  	s19 =	sld [smem:$0x3FDB];
	_ =	sdelay $0x1  }
0x99: {  	s4 =	simm.s32 $_scs_section_size  }
0x9a: {  	s5 =	simm.s32 $_size__tile_overlayer_lowered;
	s6 =	simm.s32 $_tile_overlayer_lowered  }
0x9b: {  	s22 =	simm.s32 $0x1BFF;
	s21 =	sshll.u32 s6, $0x1;
	s3 =	sadd.s32 s4, s19  }
0x9c: {  	s7 =	simm.s32 $0x0;
	s20 =	sshll.u32 s5, $0x1;
	s5 =	sadd.s32 s21, s3  }
0x9d: {  	[timem:s7], [sflag:s22] =	dma.local [hbm:s5], s20  }
0x9e: {  	_ =	swait.ge [sflag:s22], s20  }
0x9f: {  	s4 =	ssub.s32 $0x0, s20;
	[sflag:s22] =	ssyncset.done $0x0  }
0xa0: {  	[sflag:s22] =	ssyncadd.s32 s4;
	_ =	sdelay $0x1  }
0xa1: {  	s23 =	simm.s32 $0x1B8B  }
0xa2: {  	_ =	swait.ge [sflag:s23], $0x1  }
0xa3: {  	[sflag:s23] =	ssyncset.done $0x0  }
0xa4: {  	s25 =	simm.s32 $0x1B8E;
	s24 =	sld [smem:$0x3FFE];
	[sflag:s23] =	ssyncadd.s32 $0xFFFFFFFF  }
0xa5: {  	s26 =	simm.s32 $execute0_lowered;
	[smem:$0x3FD2] =	sst s25  }
0xa6: {  	s5 =	sshll.u32 s26, $0x1;
	_ =	strace $0x80000046;
	[dreg:$0x1] =	wrdreg $0xFFFFFFFF  }
0xa7: {  	s28 =	simm.s32 $_size_execute0_lowered;
	s3 =	sadd.s32 s3, s5;
	[dreg:$0x0] =	wrdreg $0x0  }
0xa8: {  	s5 =	sshll.u32 s28, $0x1;
	[dreg:$0x2] =	wrdreg s3  }
0xa9: {  	[dreg:$0x3] =	wrdreg s5  }
0xaa: {  	[dreg:$0x4] =	wrdreg $0xC0  }
0xab: {  	_ =	task [dreg:s7], $0x5FFFF  }
0xac: {  	[dreg:$0x1] =	wrdreg $0xFFFFFFFF  }
0xad: {  	[dreg:$0x0] =	wrdreg $0x60  }
0xae: {  	[dreg:$0x2] =	wrdreg s24  }
0xaf: {  	[dreg:$0x3] =	wrdreg s2  }
0xb0: {  	[dreg:$0x4] =	wrdreg $0x9  }
0xb1: {  	_ =	task.clear_ibuf [dreg:s7], $0x5FFFF;
	_ =	strace $0x90000046  }
0xb2: {  	s29 =	simm.s32 $0x9;
	_ =	strace $0x80000048  }
0xb3: {  	_ =	swait.ge [sflag:s29], $0x1  }
0xb4: {  	[sflag:s29] =	ssyncadd.s32 $0xFFFFFFFF  }
0xb5: {  	_ =	strace $0x90000048  }
0xb6: {  	_ =	sfence  }
0xb7: {  	s30 =	sld [smem:$0x0];
	_ =	sdelay $0x2  }
0xb8: {  	s31 =	sshll.u32 s1, $0xD;
	s1 =	sshrl.u32 s1, $0x2  }
0xb9: {  	s3 =	sand.u32 $0x4000, s31;
	s1 =	sadd.s32 s1, s30  }
0xba: {  	s0 =	sor.u32 s3, s0;
	s1 =	sshll.u32 s1, $0x11  }
0xbb: {  	s0 =	sor.u32 s1, s0  }
0xbc: {  	s0 =	sadd.s32 $0x8F2B, s0  }
0xbd: {  	[sflag:s0] =	ssyncadd.remote.s32 $0x1  }
0xbe: {  	_ =	sfence.sel $0xFFFF  }
0xbf: {  	[dreg:$0x0] =	wrdreg $0xFFFFFFFF;
	(pc) =	sbr.abs _section_cstart, $3  }
0xc0: {  	[dreg:$0x1] =	wrdreg $0xFFFFFFFF  }
0xc1: {  	_ =	task.clear_ibuf [dreg:s7], $0x2FFFF;
	_ =	strace $0x9FFFFFFF  }
0xc2: {  	(tm) =	ssettm $0x7FFFFFFF  }
0xc3: {  	_ =	shalt  }
tec
execute0_lowered:
.L_overlay_start_1:
0x0: {  	(tag) =	ssettag $0x1  }
0x1: {  	s0 =	rddreg [dreg:$0x0]  }
0x2: {  	s1 =	rddreg [dreg:$0x1];
	s16 =	simm.s32 $0x0;
	s2 =	srdreg.scid  }
0x3: {  	s3 =	stileid.u32;
	s18 =	simm.s32 $0x2;
	s15 =	simm.s32 $0x80  }
0x4: {  	s28 =	simm.s32 $0x14680;
	s29 =	simm.s32 $0x10C00;
	s30 =	simm.s32 $0x14700  }
0x5: {  	s31 =	simm.s32 $0x11400;
	s13 =	simm.s32 $0x14800;
	s14 =	simm.s32 $0x12400  }
0x6: {  	s9 =	simm.s32 $0x14980;
	s10 =	simm.s32 $0x13C00;
	s11 =	simm.s32 $0x14A00  }
0x7: {  	s17 =	simm.s32 $0x0;
	[smem:$0x7FF] =	sst s16;
	s2 =	sand.u32 $0x1, s2  }
0x8: {  	s3 =	sshll.u32 s3, $0x1;
	s4 =	sadd.s32 $0xF6B400, s0;
	_ =	strace $0x80000047  }
0x9: {  	s5 =	sor.u32 s2, s3;
	s3 =	sadd.s32 $0x29000, s0;
	s2 =	ssub.s32 $0x2, s2  }
0xa: {  	s6 =	smul.u32 $0x680, s5;
	s7 =	sshll.u32 s5, $0xA;
	s8 =	sshrl.u32 s2, $0x1  }
0xb: {  	s5 =	sshll.u32 s5, $0xB;
	s7 =	sadd.s32 s7, s0;
	s2 =	ssub.s32 s2, s8  }
0xc: {  	s1 =	sadd.s32 s1, s5;
	s5 =	simm.s32 $0x14880;
	s8 =	simm.s32 $0x13400  }
0xd: {  	s0 =	sadd.s32 s6, s0;
	[dreg:$0x6] =	wrdreg s1;
	s25 =	sadd.s32 $0xF89E00, s7  }
0xe: {  	s26 =	smax.u32 s2, $0x1;
	s1 =	simm.s32 $0x11C00;
	[dreg:$0x7] =	wrdreg s25  }
0xf: {  	s7 =	simm.s32 $0x14900;
	s6 =	sadd.s32 $0xF000, s0;
	[dreg:$0x9] =	wrdreg s26  }
0x10: {  	s2 =	simm.s32 $0x1;
	s23 =	sadd.s32 $0x2000, s0;
	[dreg:$0x3] =	wrdreg s6  }
0x11: {  	s24 =	sadd.s32 $0x1C000, s0;
	s0 =	sadd.s32 $0xF91E00, s0;
	[dreg:$0x4] =	wrdreg s23  }
0x12: {  	s25 =	simm.s32 $0x14600;
	s26 =	simm.s32 $0x10400;
	[dreg:$0x5] =	wrdreg s24  }
0x13: {  	[dreg:$0x8] =	wrdreg s0;
	s0 =	simm.s32 $0x14780;
	s6 =	simm.s32 $0x12C00  }
.LBB2_1:
0x14: {  	[dreg:$0xa] =	wrdreg s17  }
0x15: {  	s12 =	rddreg [dreg:$0x3]  }
0x16: {  	[tilespmem:s16], [sflag:$0x2] =	stream.linear.gather [hbm4b:s12+s16], $0x3400, $0x38;
	[tilespmem:$0x19E80] =	vst v63  }
0x17: {  	_ =	swait.ge [sflag:s18], $0x3400  }
0x18: {  	[sflag:s18] =	ssyncset.done $0x0  }
0x19: {  	s22 =	simm.s32 $0x3400;
	s21 =	rddreg [dreg:$0x4];
	[sflag:s18] =	ssyncadd.s32 $0xFFFFCC00  }
0x1a: {  	[tilespmem:s22], [sflag:$0x2] =	stream.linear.gather [hbm4b:s21+s16], $0x3400, $0x38;
	[tilespmem:$0x19E80] =	vst v63  }
0x1b: {  	_ =	swait.ge [sflag:s18], $0x3400  }
0x1c: {  	[sflag:s18] =	ssyncset.done $0x0  }
0x1d: {  	s12 =	simm.s32 $0x6800;
	s23 =	rddreg [dreg:$0x5];
	[sflag:s18] =	ssyncadd.s32 $0xFFFFCC00  }
0x1e: {  	[tilespmem:s12], [sflag:$0x2] =	stream.linear.gather [hbm4b:s23+s16], $0x3400, $0x38;
	[tilespmem:$0x19E80] =	vst v63  }
0x1f: {  	_ =	swait.ge [sflag:s18], $0x3400  }
0x20: {  	[sflag:s18] =	ssyncset.done $0x0  }
0x21: {  	s19 =	simm.s32 $0x9C00;
	s24 =	rddreg [dreg:$0x6];
	[sflag:s18] =	ssyncadd.s32 $0xFFFFCC00  }
0x22: {  	[tilespmem:s19], [sflag:$0x2] =	stream.linear.gather [hbm4b:s24+s16], $0x4000, $0x38;
	[tilespmem:$0x19E80] =	vst v63  }
0x23: {  	_ =	swait.ge [sflag:s18], $0x4000  }
0x24: {  	s17 =	simm.s32 $0x14A80;
	s16 =	simm.s32 $0x9C10;
	[sflag:s18] =	ssyncset.done $0x0  }
0x25: {  	s19 =	simm.s32 $0x0;
	[sflag:s18] =	ssyncadd.s32 $0xFFFFC000;
	s18 =	simm.s32 $0x16A80  }
.LBB2_2:
0x26: {  	s20 =	smul.u32 $0x680, s19  }
0x27: {  	s21 =	simm.s32 $0xDC00  }
0x28: {  	[tilespmem:s21], [sflag:$0x1] =	stream.indirect.gather [hbm4b:s3+s15], $0x10, s20, s15, $0xb8;
	[tilespmem:$0x19E80] =	vst v63  }
0x29: {  	s22 =	simm.s32 $0x14400;
	s24 =	sadd.s32 $0x3400, s20  }
0x2a: {  	[tilespmem:s22], [sflag:$0x1] =	stream.indirect.gather [hbm4b:s4+s15], $0x1, s24, s15, $0xb8;
	[tilespmem:$0x19E80] =	vst v63  }
0x2b: {  	s23 =	sadd.s32 $0x80, s20;
	s24 =	simm.s32 $0xE400  }
0x2c: {  	[tilespmem:s24], [sflag:$0x1] =	stream.indirect.gather [hbm4b:s3+s15], $0x10, s23, s15, $0xb8;
	[tilespmem:$0x19E80] =	vst v63  }
0x2d: {  	s23 =	sadd.s32 $0x3480, s20;
	s24 =	simm.s32 $0x14480  }
0x2e: {  	[tilespmem:s24], [sflag:$0x1] =	stream.indirect.gather [hbm4b:s4+s15], $0x1, s23, s15, $0xb8;
	[tilespmem:$0x19E80] =	vst v63  }
0x2f: {  	s23 =	sadd.s32 $0x100, s20;
	s24 =	simm.s32 $0xEC00  }
0x30: {  	[tilespmem:s24], [sflag:$0x1] =	stream.indirect.gather [hbm4b:s3+s15], $0x10, s23, s15, $0xb8;
	[tilespmem:$0x19E80] =	vst v63  }
0x31: {  	s23 =	sadd.s32 $0x3500, s20;
	s24 =	simm.s32 $0x14500  }
0x32: {  	[tilespmem:s24], [sflag:$0x1] =	stream.indirect.gather [hbm4b:s4+s15], $0x1, s23, s15, $0xb8;
	[tilespmem:$0x19E80] =	vst v63  }
0x33: {  	s23 =	sadd.s32 $0x180, s20;
	s24 =	simm.s32 $0xF400  }
0x34: {  	[tilespmem:s24], [sflag:$0x1] =	stream.indirect.gather [hbm4b:s3+s15], $0x10, s23, s15, $0xb8;
	[tilespmem:$0x19E80] =	vst v63  }
0x35: {  	s23 =	sadd.s32 $0x3580, s20;
	s24 =	simm.s32 $0x14580  }
0x36: {  	[tilespmem:s24], [sflag:$0x1] =	stream.indirect.gather [hbm4b:s4+s15], $0x1, s23, s15, $0xb8;
	[tilespmem:$0x19E80] =	vst v63  }
0x37: {  	s22 =	sadd.s32 $0x200, s20;
	s23 =	simm.s32 $0xFC00  }
0x38: {  	[tilespmem:s23], [sflag:$0x1] =	stream.indirect.gather [hbm4b:s3+s15], $0x10, s22, s15, $0xb8;
	[tilespmem:$0x19E80] =	vst v63  }
0x39: {  	s24 =	sadd.s32 $0x3600, s20  }
0x3a: {  	[tilespmem:s25], [sflag:$0x1] =	stream.indirect.gather [hbm4b:s4+s15], $0x1, s24, s15, $0xb8;
	[tilespmem:$0x19E80] =	vst v63  }
0x3b: {  	s22 =	sadd.s32 $0x280, s20  }
0x3c: {  	[tilespmem:s26], [sflag:$0x1] =	stream.indirect.gather [hbm4b:s3+s15], $0x10, s22, s15, $0xb8;
	[tilespmem:$0x19E80] =	vst v63  }
0x3d: {  	s23 =	sadd.s32 $0x3680, s20  }
0x3e: {  	[tilespmem:s28], [sflag:$0x1] =	stream.indirect.gather [hbm4b:s4+s15], $0x1, s23, s15, $0xb8;
	[tilespmem:$0x19E80] =	vst v63  }
0x3f: {  	s24 =	sadd.s32 $0x300, s20  }
0x40: {  	[tilespmem:s29], [sflag:$0x1] =	stream.indirect.gather [hbm4b:s3+s15], $0x10, s24, s15, $0xb8;
	[tilespmem:$0x19E80] =	vst v63  }
0x41: {  	s22 =	sadd.s32 $0x3700, s20  }
0x42: {  	[tilespmem:s30], [sflag:$0x1] =	stream.indirect.gather [hbm4b:s4+s15], $0x1, s22, s15, $0xb8;
	[tilespmem:$0x19E80] =	vst v63  }
0x43: {  	s23 =	sadd.s32 $0x380, s20  }
0x44: {  	[tilespmem:s31], [sflag:$0x1] =	stream.indirect.gather [hbm4b:s3+s15], $0x10, s23, s15, $0xb8;
	[tilespmem:$0x19E80] =	vst v63  }
0x45: {  	s24 =	sadd.s32 $0x3780, s20  }
0x46: {  	[tilespmem:s0], [sflag:$0x1] =	stream.indirect.gather [hbm4b:s4+s15], $0x1, s24, s15, $0xb8;
	[tilespmem:$0x19E80] =	vst v63  }
0x47: {  	s22 =	sadd.s32 $0x400, s20  }
0x48: {  	[tilespmem:s1], [sflag:$0x1] =	stream.indirect.gather [hbm4b:s3+s15], $0x10, s22, s15, $0xb8;
	[tilespmem:$0x19E80] =	vst v63  }
0x49: {  	s23 =	sadd.s32 $0x3800, s20  }
0x4a: {  	[tilespmem:s13], [sflag:$0x1] =	stream.indirect.gather [hbm4b:s4+s15], $0x1, s23, s15, $0xb8;
	[tilespmem:$0x19E80] =	vst v63  }
0x4b: {  	s24 =	sadd.s32 $0x480, s20  }
0x4c: {  	[tilespmem:s14], [sflag:$0x1] =	stream.indirect.gather [hbm4b:s3+s15], $0x10, s24, s15, $0xb8;
	[tilespmem:$0x19E80] =	vst v63  }
0x4d: {  	s22 =	sadd.s32 $0x3880, s20  }
0x4e: {  	[tilespmem:s5], [sflag:$0x1] =	stream.indirect.gather [hbm4b:s4+s15], $0x1, s22, s15, $0xb8;
	[tilespmem:$0x19E80] =	vst v63  }
0x4f: {  	s23 =	sadd.s32 $0x500, s20  }
0x50: {  	[tilespmem:s6], [sflag:$0x1] =	stream.indirect.gather [hbm4b:s3+s15], $0x10, s23, s15, $0xb8;
	[tilespmem:$0x19E80] =	vst v63  }
0x51: {  	s24 =	sadd.s32 $0x3900, s20  }
0x52: {  	[tilespmem:s7], [sflag:$0x1] =	stream.indirect.gather [hbm4b:s4+s15], $0x1, s24, s15, $0xb8;
	[tilespmem:$0x19E80] =	vst v63  }
0x53: {  	s22 =	sadd.s32 $0x580, s20  }
0x54: {  	[tilespmem:s8], [sflag:$0x1] =	stream.indirect.gather [hbm4b:s3+s15], $0x10, s22, s15, $0xb8;
	[tilespmem:$0x19E80] =	vst v63  }
0x55: {  	s23 =	sadd.s32 $0x3980, s20  }
0x56: {  	[tilespmem:s9], [sflag:$0x1] =	stream.indirect.gather [hbm4b:s4+s15], $0x1, s23, s15, $0xb8;
	[tilespmem:$0x19E80] =	vst v63  }
0x57: {  	s24 =	sadd.s32 $0x600, s20  }
0x58: {  	[tilespmem:s10], [sflag:$0x1] =	stream.indirect.gather [hbm4b:s3+s15], $0x10, s24, s15, $0xb8;
	[tilespmem:$0x19E80] =	vst v63  }
0x59: {  	s20 =	sadd.s32 $0x3A00, s20  }
0x5a: {  	[tilespmem:s11], [sflag:$0x1] =	stream.indirect.gather [hbm4b:s4+s15], $0x1, s20, s15, $0xb8;
	[tilespmem:$0x19E80] =	vst v63  }
0x5b: {  	_ =	swait.ge [sflag:s2], $0x800  }
0x5c: {  	[sflag:s2] =	ssyncset.done $0x0  }
0x5d: {  	[sflag:s2] =	ssyncadd.s32 $0xFFFFF800  }
0x5e: {  	_ =	swait.ge [sflag:s2], $0x80  }
0x5f: {  	[sflag:s2] =	ssyncset.done $0x0  }
0x60: {  	[sflag:s2] =	ssyncadd.s32 $0xFFFFFF80  }
0x61: {  	_ =	swait.ge [sflag:s2], $0x800  }
0x62: {  	[sflag:s2] =	ssyncset.done $0x0  }
0x63: {  	[sflag:s2] =	ssyncadd.s32 $0xFFFFF800  }
0x64: {  	_ =	swait.ge [sflag:s2], $0x80  }
0x65: {  	[sflag:s2] =	ssyncset.done $0x0  }
0x66: {  	[sflag:s2] =	ssyncadd.s32 $0xFFFFFF80  }
0x67: {  	_ =	swait.ge [sflag:s2], $0x800  }
0x68: {  	[sflag:s2] =	ssyncset.done $0x0  }
0x69: {  	[sflag:s2] =	ssyncadd.s32 $0xFFFFF800  }
0x6a: {  	_ =	swait.ge [sflag:s2], $0x80  }
0x6b: {  	[sflag:s2] =	ssyncset.done $0x0  }
0x6c: {  	[sflag:s2] =	ssyncadd.s32 $0xFFFFFF80  }
0x6d: {  	_ =	swait.ge [sflag:s2], $0x800  }
0x6e: {  	[sflag:s2] =	ssyncset.done $0x0  }
0x6f: {  	[sflag:s2] =	ssyncadd.s32 $0xFFFFF800  }
0x70: {  	_ =	swait.ge [sflag:s2], $0x80  }
0x71: {  	[sflag:s2] =	ssyncset.done $0x0  }
0x72: {  	[sflag:s2] =	ssyncadd.s32 $0xFFFFFF80  }
0x73: {  	_ =	swait.ge [sflag:s2], $0x800  }
0x74: {  	[sflag:s2] =	ssyncset.done $0x0  }
0x75: {  	[sflag:s2] =	ssyncadd.s32 $0xFFFFF800  }
0x76: {  	_ =	swait.ge [sflag:s2], $0x80  }
0x77: {  	[sflag:s2] =	ssyncset.done $0x0  }
0x78: {  	[sflag:s2] =	ssyncadd.s32 $0xFFFFFF80  }
0x79: {  	_ =	swait.ge [sflag:s2], $0x800  }
0x7a: {  	[sflag:s2] =	ssyncset.done $0x0  }
0x7b: {  	[sflag:s2] =	ssyncadd.s32 $0xFFFFF800  }
0x7c: {  	_ =	swait.ge [sflag:s2], $0x80  }
0x7d: {  	[sflag:s2] =	ssyncset.done $0x0  }
0x7e: {  	[sflag:s2] =	ssyncadd.s32 $0xFFFFFF80  }
0x7f: {  	_ =	swait.ge [sflag:s2], $0x800  }
0x80: {  	[sflag:s2] =	ssyncset.done $0x0  }
0x81: {  	[sflag:s2] =	ssyncadd.s32 $0xFFFFF800  }
0x82: {  	_ =	swait.ge [sflag:s2], $0x80  }
0x83: {  	[sflag:s2] =	ssyncset.done $0x0  }
0x84: {  	[sflag:s2] =	ssyncadd.s32 $0xFFFFFF80  }
0x85: {  	_ =	swait.ge [sflag:s2], $0x800  }
0x86: {  	[sflag:s2] =	ssyncset.done $0x0  }
0x87: {  	[sflag:s2] =	ssyncadd.s32 $0xFFFFF800  }
0x88: {  	_ =	swait.ge [sflag:s2], $0x80  }
0x89: {  	[sflag:s2] =	ssyncset.done $0x0  }
0x8a: {  	[sflag:s2] =	ssyncadd.s32 $0xFFFFFF80  }
0x8b: {  	_ =	swait.ge [sflag:s2], $0x800  }
0x8c: {  	[sflag:s2] =	ssyncset.done $0x0  }
0x8d: {  	[sflag:s2] =	ssyncadd.s32 $0xFFFFF800  }
0x8e: {  	_ =	swait.ge [sflag:s2], $0x80  }
0x8f: {  	[sflag:s2] =	ssyncset.done $0x0  }
0x90: {  	[sflag:s2] =	ssyncadd.s32 $0xFFFFFF80  }
0x91: {  	_ =	swait.ge [sflag:s2], $0x800  }
0x92: {  	[sflag:s2] =	ssyncset.done $0x0  }
0x93: {  	[sflag:s2] =	ssyncadd.s32 $0xFFFFF800  }
0x94: {  	_ =	swait.ge [sflag:s2], $0x80  }
0x95: {  	[sflag:s2] =	ssyncset.done $0x0  }
0x96: {  	[sflag:s2] =	ssyncadd.s32 $0xFFFFFF80  }
0x97: {  	_ =	swait.ge [sflag:s2], $0x800  }
0x98: {  	[sflag:s2] =	ssyncset.done $0x0  }
0x99: {  	[sflag:s2] =	ssyncadd.s32 $0xFFFFF800  }
0x9a: {  	_ =	swait.ge [sflag:s2], $0x80  }
0x9b: {  	[sflag:s2] =	ssyncset.done $0x0  }
0x9c: {  	[sflag:s2] =	ssyncadd.s32 $0xFFFFFF80  }
0x9d: {  	_ =	swait.ge [sflag:s2], $0x800  }
0x9e: {  	[sflag:s2] =	ssyncset.done $0x0  }
0x9f: {  	[sflag:s2] =	ssyncadd.s32 $0xFFFFF800  }
0xa0: {  	_ =	swait.ge [sflag:s2], $0x80  }
0xa1: {  	[sflag:s2] =	ssyncset.done $0x0  }
0xa2: {  	[sflag:s2] =	ssyncadd.s32 $0xFFFFFF80  }
0xa3: {  	_ =	swait.ge [sflag:s2], $0x800  }
0xa4: {  	v1 =	vmov s12;
	[sflag:s2] =	ssyncset.done $0x0  }
0xa5: {  	[sflag:s2] =	ssyncadd.s32 $0xFFFFF800  }
0xa6: {  	_ =	swait.ge [sflag:s2], $0x80  }
0xa7: {  	[sflag:s2] =	ssyncset.done $0x0  }
0xa8: {  	v0 =	vmov s18;
	s21 =	simm.s32 $0x40;
	s20 =	simm.s32 $0x0;
	[sflag:s2] =	ssyncadd.s32 $0xFFFFFF80  }
.LBB2_3:
0xa9: {  	p0 =	sne.s32 s21, $0x19C0;
	v2 =	vld.idx.msk [tilespmem:v1+s20+$0x0 ss:$0x1], $0xffff  }
0xaa: {  	v3 =	vld [tilespmem:s20+$0x14400];
	_ =	sdelay $0x2  }
.Ltmp0:
0xab: {  	(pc) =	sbr.rel @p0 .LBB2_3-.Ltmp0, $3  }
0xac: {  	_ = 	snop  }
0xad: {  	v2 =	vmul.f32 v2, v3;
	_ =	sdelay $0x1  }
0xae: {  	[tilespmem:v0+s20+$0x0 ss:$0x1] =	vst.idx.msk $0xffff, v2;
	s20 =	sshra.s32 s21, $0x2;
	s21 =	sadd.s32 $0x40, s21  }
0xaf: {  	_ =	sdelay $0x3  }
0xb0: {  	v1 =	vld.idx.msk [tilespmem:v1+s20+$0x0 ss:$0x1], $0xffff  }
0xb1: {  	v2 =	vld [tilespmem:s20+$0x14400];
	_ =	sdelay $0x4  }
0xb2: {  	v1 =	vmul.f32 v1, v2;
	_ =	sdelay $0x1  }
0xb3: {  	[tilespmem:v0+s20+$0x0 ss:$0x1] =	vst.idx.msk $0xffff, v1  }
0xb4: {  	v0 =	vld [tilespmem:s16+$0xFFFFFFF0]  }
0xb5: {  	s20 =	simm.s32 $0xDCD0  }
0xb6: {  	v1 =	vld [tilespmem:s20+$0xFFFFFF30];
	_ =	sdelay $0x1  }
0xb7: {  	v2 =	vld [tilespmem:s20+$0xFFFFFF40]  }
0xb8: {  	v4 =	vld [tilespmem:s20+$0xFFFFFF50];
	v3 =	vbroadcast v0, $0x0;
	_ =	sdelay $0x1  }
0xb9: {  	v5 =	vld [tilespmem:s20+$0xFFFFFF60];
	v1 =	vmul.f32 v1, v3;
	v3 =	vbroadcast v0, $0x1  }
0xba: {  	v6 =	vbroadcast v0, $0x2  }
0xbb: {  	v7 =	vadd.f32 $0.0e+00, v1;
	v2 =	vmul.f32 v2, v3  }
0xbc: {  	v23 =	vbroadcast v0, $0x3;
	v4 =	vmul.f32 v4, v6;
	v3 =	vld [tilespmem:s20+$0xFFFFFF70]  }
0xbd: {  	v8 =	vld [tilespmem:s20+$0xFFFFFF80];
	v1 =	vmul.f32 v1, v1;
	v7 =	vadd.f32 v2, v7;
	v2 =	vmul.f32 v2, v2  }
0xbe: {  	v24 =	vbroadcast v0, $0x4;
	v5 =	vmul.f32 v5, v23  }
0xbf: {  	v25 =	vld [tilespmem:s20+$0xFFFFFF90];
	v1 =	vadd.f32 v2, v1;
	v2 =	vadd.f32 v4, v7;
	v4 =	vmul.f32 v4, v4  }
0xc0: {  	v26 =	vbroadcast v0, $0x5;
	v27 =	vmul.f32 v5, v5  }
0xc1: {  	v28 =	vld [tilespmem:s20+$0xFFFFFFA0];
	v3 =	vmul.f32 v3, v24;
	v1 =	vadd.f32 v4, v1;
	v2 =	vadd.f32 v5, v2  }
0xc2: {  	v29 =	vbroadcast v0, $0x6;
	v6 =	vmul.f32 v8, v26  }
0xc3: {  	v30 =	vld [tilespmem:s20+$0xFFFFFFB0];
	v1 =	vadd.f32 v27, v1;
	v2 =	vadd.f32 v3, v2;
	v3 =	vmul.f32 v3, v3  }
0xc4: {  	v31 =	vbroadcast v0, $0x7;
	v7 =	vmul.f32 v25, v29  }
0xc5: {  	v32 =	vld [tilespmem:s20+$0xFFFFFFC0];
	v1 =	vadd.f32 v3, v1;
	v2 =	vadd.f32 v6, v2;
	v3 =	vmul.f32 v6, v6  }
0xc6: {  	v33 =	vbroadcast v0, $0x8;
	v5 =	vmul.f32 v28, v31  }
0xc7: {  	v34 =	vld [tilespmem:s20+$0xFFFFFFD0];
	v1 =	vadd.f32 v3, v1;
	v2 =	vadd.f32 v7, v2;
	v3 =	vmul.f32 v7, v7  }
0xc8: {  	v35 =	vbroadcast v0, $0x9;
	v4 =	vmul.f32 v30, v33  }
0xc9: {  	v36 =	vld [tilespmem:s20+$0xFFFFFFE0];
	v1 =	vadd.f32 v3, v1;
	v2 =	vadd.f32 v5, v2;
	v3 =	vmul.f32 v5, v5  }
0xca: {  	v37 =	vbroadcast v0, $0xA;
	v6 =	vmul.f32 v32, v35  }
0xcb: {  	v38 =	vld [tilespmem:s20+$0xFFFFFFF0];
	v1 =	vadd.f32 v3, v1;
	v2 =	vadd.f32 v4, v2;
	v3 =	vmul.f32 v4, v4  }
0xcc: {  	v39 =	vbroadcast v0, $0xB;
	v7 =	vmul.f32 v34, v37  }
0xcd: {  	v40 =	vld [tilespmem:s20+$0x0];
	v1 =	vadd.f32 v3, v1;
	v2 =	vadd.f32 v6, v2;
	v3 =	vmul.f32 v6, v6  }
0xce: {  	v41 =	vbroadcast v0, $0xC;
	v5 =	vmul.f32 v36, v39  }
0xcf: {  	v42 =	vld [tilespmem:s20+$0x10];
	v1 =	vadd.f32 v3, v1;
	v2 =	vadd.f32 v7, v2;
	v3 =	vmul.f32 v7, v7  }
0xd0: {  	v9 =	vld [tilespmem:s20+$0x20];
	v43 =	vbroadcast v0, $0xD;
	v4 =	vmul.f32 v38, v41  }
0xd1: {  	v10 =	vld [tilespmem:s16+$0x0];
	v1 =	vadd.f32 v3, v1;
	v2 =	vadd.f32 v5, v2;
	v3 =	vmul.f32 v5, v5  }
0xd2: {  	v45 =	vbroadcast v0, $0xE;
	v44 =	vmul.f32 v40, v43  }
0xd3: {  	v46 =	vld [tilespmem:s20+$0x30];
	v1 =	vadd.f32 v3, v1;
	v2 =	vadd.f32 v4, v2;
	v3 =	vmul.f32 v4, v4  }
0xd4: {  	v0 =	vbroadcast v0, $0xF;
	v6 =	vmul.f32 v42, v45  }
0xd5: {  	v47 =	vld [tilespmem:s20+$0x40];
	v1 =	vadd.f32 v3, v1;
	v2 =	vadd.f32 v44, v2;
	v3 =	vmul.f32 v44, v44  }
0xd6: {  	v48 =	vbroadcast v10, $0x0;
	v0 =	vmul.f32 v9, v0  }
0xd7: {  	v49 =	vld [tilespmem:s20+$0x50];
	v1 =	vadd.f32 v3, v1;
	v2 =	vadd.f32 v6, v2;
	v3 =	vmul.f32 v6, v6  }
0xd8: {  	v50 =	vbroadcast v10, $0x1;
	v4 =	vmul.f32 v46, v48  }
0xd9: {  	v1 =	vadd.f32 v3, v1;
	v2 =	vadd.f32 v0, v2;
	v0 =	vmul.f32 v0, v0;
	v3 =	vld [tilespmem:s20+$0x60]  }
0xda: {  	v51 =	vbroadcast v10, $0x2;
	v5 =	vmul.f32 v47, v50  }
0xdb: {  	v52 =	vld [tilespmem:s20+$0x70];
	v0 =	vadd.f32 v0, v1;
	v1 =	vadd.f32 v4, v2;
	v2 =	vmul.f32 v4, v4  }
0xdc: {  	v53 =	vbroadcast v10, $0x3;
	v6 =	vmul.f32 v49, v51  }
0xdd: {  	v54 =	vld [tilespmem:s20+$0x80];
	v0 =	vadd.f32 v2, v0;
	v1 =	vadd.f32 v5, v1;
	v2 =	vmul.f32 v5, v5  }
0xde: {  	v55 =	vbroadcast v10, $0x4;
	v3 =	vmul.f32 v3, v53  }
0xdf: {  	v56 =	vld [tilespmem:s20+$0x90];
	v0 =	vadd.f32 v2, v0;
	v1 =	vadd.f32 v6, v1;
	v2 =	vmul.f32 v6, v6  }
0xe0: {  	v57 =	vbroadcast v10, $0x5;
	v4 =	vmul.f32 v52, v55  }
0xe1: {  	v0 =	vadd.f32 v2, v0;
	v1 =	vadd.f32 v3, v1;
	v2 =	vmul.f32 v3, v3;
	v3 =	vld [tilespmem:s20+$0xA0]  }
0xe2: {  	v58 =	vbroadcast v10, $0x6;
	v5 =	vmul.f32 v54, v57  }
0xe3: {  	v59 =	vld [tilespmem:s20+$0xB0];
	v0 =	vadd.f32 v2, v0;
	v1 =	vadd.f32 v4, v1;
	v2 =	vmul.f32 v4, v4  }
0xe4: {  	v60 =	vbroadcast v10, $0x7;
	v6 =	vmul.f32 v56, v58  }
0xe5: {  	v61 =	vld [tilespmem:s20+$0xC0];
	v0 =	vadd.f32 v2, v0;
	v1 =	vadd.f32 v5, v1;
	v2 =	vmul.f32 v5, v5  }
0xe6: {  	v62 =	vbroadcast v10, $0x8;
	v3 =	vmul.f32 v3, v60  }
0xe7: {  	v0 =	vadd.f32 v2, v0;
	v1 =	vadd.f32 v6, v1;
	v2 =	vmul.f32 v6, v6  }
0xe8: {  	v63 =	vbroadcast v10, $0x9;
	v4 =	vmul.f32 v59, v62  }
0xe9: {  	v0 =	vadd.f32 v2, v0;
	v1 =	vadd.f32 v3, v1;
	v2 =	vmul.f32 v3, v3  }
0xea: {  	v3 =	vmul.f32 v61, v63  }
0xeb: {  	v0 =	vadd.f32 v2, v0;
	v1 =	vadd.f32 v4, v1;
	v2 =	vmul.f32 v4, v4;
	_ =	sdelay $0x1  }
0xec: {  	v0 =	vadd.f32 v2, v0;
	v1 =	vadd.f32 v3, v1;
	v2 =	vmul.f32 v3, v3;
	_ =	sdelay $0x1  }
0xed: {  	v2 =	vadd.f32 v2, v0;
	v1 =	vmul.f32 v1, v1  }
0xee: {  	v0 =	vmov s17  }
0xef: {  	v1 =	vsub.f32 v1, v2;
	_ =	sdelay $0x1  }
0xf0: {  	v1 =	vmul.f32 $5.000000000e-01, v1  }
0xf1: {  	s21 =	simm.s32 $0x0  }
0xf2: {  	s22 =	sadd.s32 $0x20, s16;
	[tilespmem:v0+s21+$0x0 ss:$0x1] =	vst.idx.msk $0xffff, v1  }
0xf3: {  	s23 =	simm.s32 $0x80;
	s21 =	simm.s32 $0x40;
	v1 =	vld [tilespmem:s22+$0xFFFFFFF0]  }
.LBB2_5:
0xf4: {  	p0 =	sne.s32 s23, $0xFC0;
	s20 =	sadd.s32 $0x1A0, s20  }
0xf5: {  	v2 =	vld [tilespmem:s20+$0xFFFFFF30];
	_ =	sdelay $0x1  }
0xf6: {  	v3 =	vld [tilespmem:s20+$0xFFFFFF40]  }
0xf7: {  	v4 =	vbroadcast v1, $0x0;
	v5 =	vld [tilespmem:s20+$0xFFFFFF50];
	_ =	sdelay $0x1  }
0xf8: {  	v2 =	vmul.f32 v2, v4;
	v4 =	vbroadcast v1, $0x1;
	v6 =	vld [tilespmem:s20+$0xFFFFFF60]  }
0xf9: {  	v7 =	vbroadcast v1, $0x2  }
0xfa: {  	v8 =	vadd.f32 $0.0e+00, v2;
	v3 =	vmul.f32 v3, v4;
	v4 =	vld [tilespmem:s20+$0xFFFFFF70]  }
0xfb: {  	v5 =	vmul.f32 v5, v7;
	v7 =	vbroadcast v1, $0x3  }
0xfc: {  	v2 =	vmul.f32 v2, v2;
	v8 =	vadd.f32 v3, v8;
	v3 =	vmul.f32 v3, v3;
	v9 =	vld [tilespmem:s20+$0xFFFFFF80]  }
0xfd: {  	v6 =	vmul.f32 v6, v7;
	v7 =	vbroadcast v1, $0x4  }
0xfe: {  	v2 =	vadd.f32 v3, v2;
	v3 =	vadd.f32 v5, v8;
	v5 =	vmul.f32 v5, v5;
	v8 =	vld [tilespmem:s20+$0xFFFFFF90]  }
0xff: {  	v4 =	vmul.f32 v4, v7;
	v7 =	vbroadcast v1, $0x5  }
0x100: {  	v2 =	vadd.f32 v5, v2;
	v3 =	vadd.f32 v6, v3;
	v5 =	vmul.f32 v6, v6;
	v6 =	vld [tilespmem:s20+$0xFFFFFFA0]  }
0x101: {  	v7 =	vmul.f32 v9, v7;
	v9 =	vbroadcast v1, $0x6  }
0x102: {  	v2 =	vadd.f32 v5, v2;
	v3 =	vadd.f32 v4, v3;
	v4 =	vmul.f32 v4, v4;
	v5 =	vld [tilespmem:s20+$0xFFFFFFB0]  }
0x103: {  	v8 =	vmul.f32 v8, v9;
	v9 =	vbroadcast v1, $0x7  }
0x104: {  	v2 =	vadd.f32 v4, v2;
	v3 =	vadd.f32 v7, v3;
	v4 =	vmul.f32 v7, v7;
	v7 =	vld [tilespmem:s20+$0xFFFFFFC0]  }
0x105: {  	v6 =	vmul.f32 v6, v9;
	v9 =	vbroadcast v1, $0x8  }
0x106: {  	v2 =	vadd.f32 v4, v2;
	v3 =	vadd.f32 v8, v3;
	v4 =	vmul.f32 v8, v8;
	v8 =	vld [tilespmem:s20+$0xFFFFFFD0]  }
0x107: {  	v5 =	vmul.f32 v5, v9;
	v9 =	vbroadcast v1, $0x9  }
0x108: {  	v2 =	vadd.f32 v4, v2;
	v3 =	vadd.f32 v6, v3;
	v4 =	vmul.f32 v6, v6;
	v6 =	vld [tilespmem:s20+$0xFFFFFFE0]  }
0x109: {  	v7 =	vmul.f32 v7, v9;
	v9 =	vbroadcast v1, $0xA  }
0x10a: {  	v2 =	vadd.f32 v4, v2;
	v3 =	vadd.f32 v5, v3;
	v4 =	vmul.f32 v5, v5;
	v5 =	vld [tilespmem:s20+$0xFFFFFFF0]  }
0x10b: {  	v8 =	vmul.f32 v8, v9;
	v9 =	vbroadcast v1, $0xB  }
0x10c: {  	v2 =	vadd.f32 v4, v2;
	v3 =	vadd.f32 v7, v3;
	v4 =	vmul.f32 v7, v7;
	v7 =	vld [tilespmem:s20+$0x0]  }
0x10d: {  	v6 =	vmul.f32 v6, v9;
	v9 =	vbroadcast v1, $0xC  }
0x10e: {  	v2 =	vadd.f32 v4, v2;
	v3 =	vadd.f32 v8, v3;
	v4 =	vmul.f32 v8, v8;
	v8 =	vld [tilespmem:s20+$0x10]  }
0x10f: {  	v5 =	vmul.f32 v5, v9;
	v9 =	vbroadcast v1, $0xD;
	v10 =	vld [tilespmem:s20+$0x20]  }
0x110: {  	v11 =	vld [tilespmem:s22+$0x0];
	v2 =	vadd.f32 v4, v2;
	v3 =	vadd.f32 v6, v3;
	v4 =	vmul.f32 v6, v6  }
0x111: {  	v6 =	vmul.f32 v7, v9;
	v7 =	vbroadcast v1, $0xE  }
0x112: {  	v2 =	vadd.f32 v4, v2;
	v3 =	vadd.f32 v5, v3;
	v4 =	vmul.f32 v5, v5;
	v5 =	vld [tilespmem:s20+$0x30]  }
0x113: {  	v1 =	vbroadcast v1, $0xF;
	v7 =	vmul.f32 v8, v7  }
0x114: {  	v2 =	vadd.f32 v4, v2;
	v3 =	vadd.f32 v6, v3;
	v4 =	vmul.f32 v6, v6;
	v6 =	vld [tilespmem:s20+$0x40]  }
0x115: {  	v1 =	vmul.f32 v10, v1;
	v8 =	vbroadcast v11, $0x0  }
0x116: {  	v2 =	vadd.f32 v4, v2;
	v3 =	vadd.f32 v7, v3;
	v4 =	vmul.f32 v7, v7;
	v7 =	vld [tilespmem:s20+$0x50]  }
0x117: {  	v5 =	vmul.f32 v5, v8;
	v8 =	vbroadcast v11, $0x1  }
0x118: {  	v2 =	vadd.f32 v4, v2;
	v3 =	vadd.f32 v1, v3;
	v1 =	vmul.f32 v1, v1;
	v4 =	vld [tilespmem:s20+$0x60]  }
0x119: {  	v6 =	vmul.f32 v6, v8;
	v8 =	vbroadcast v11, $0x2  }
0x11a: {  	v1 =	vadd.f32 v1, v2;
	v2 =	vadd.f32 v5, v3;
	v3 =	vmul.f32 v5, v5;
	v5 =	vld [tilespmem:s20+$0x70]  }
0x11b: {  	v7 =	vmul.f32 v7, v8;
	v8 =	vbroadcast v11, $0x3  }
0x11c: {  	v1 =	vadd.f32 v3, v1;
	v2 =	vadd.f32 v6, v2;
	v3 =	vmul.f32 v6, v6;
	v6 =	vld [tilespmem:s20+$0x80]  }
0x11d: {  	v4 =	vmul.f32 v4, v8;
	v8 =	vbroadcast v11, $0x4  }
0x11e: {  	v1 =	vadd.f32 v3, v1;
	v2 =	vadd.f32 v7, v2;
	v3 =	vmul.f32 v7, v7;
	v7 =	vld [tilespmem:s20+$0x90]  }
0x11f: {  	v5 =	vmul.f32 v5, v8;
	v8 =	vbroadcast v11, $0x5  }
0x120: {  	v1 =	vadd.f32 v3, v1;
	v2 =	vadd.f32 v4, v2;
	v3 =	vmul.f32 v4, v4;
	v4 =	vld [tilespmem:s20+$0xA0]  }
0x121: {  	v6 =	vmul.f32 v6, v8;
	v8 =	vbroadcast v11, $0x6  }
0x122: {  	v1 =	vadd.f32 v3, v1;
	v2 =	vadd.f32 v5, v2;
	v3 =	vmul.f32 v5, v5;
	v5 =	vld [tilespmem:s20+$0xB0]  }
0x123: {  	v7 =	vmul.f32 v7, v8;
	v8 =	vbroadcast v11, $0x7  }
0x124: {  	v1 =	vadd.f32 v3, v1;
	v2 =	vadd.f32 v6, v2;
	v3 =	vmul.f32 v6, v6;
	v6 =	vld [tilespmem:s20+$0xC0]  }
0x125: {  	v4 =	vmul.f32 v4, v8;
	v8 =	vbroadcast v11, $0x8  }
0x126: {  	v1 =	vadd.f32 v3, v1;
	v2 =	vadd.f32 v7, v2;
	v3 =	vmul.f32 v7, v7  }
0x127: {  	v7 =	vbroadcast v11, $0x9;
	v5 =	vmul.f32 v5, v8  }
0x128: {  	v1 =	vadd.f32 v3, v1;
	v2 =	vadd.f32 v4, v2;
	v3 =	vmul.f32 v4, v4  }
0x129: {  	v4 =	vmul.f32 v6, v7  }
0x12a: {  	v1 =	vadd.f32 v3, v1;
	v2 =	vadd.f32 v5, v2;
	v3 =	vmul.f32 v5, v5;
	_ =	sdelay $0x1  }
0x12b: {  	v1 =	vadd.f32 v3, v1;
	v2 =	vadd.f32 v4, v2;
	v3 =	vmul.f32 v4, v4;
	_ =	sdelay $0x1  }
0x12c: {  	v1 =	vadd.f32 v3, v1;
	v2 =	vmul.f32 v2, v2;
	_ =	sdelay $0x1  }
0x12d: {  	v1 =	vsub.f32 v2, v1  }
.Ltmp1:
0x12e: {  	(pc) =	sbr.rel @p0 .LBB2_5-.Ltmp1, $4  }
0x12f: {  	v1 =	vmul.f32 $5.000000000e-01, v1  }
0x130: {  	s24 =	sshra.s32 s21, $0x2;
	s21 =	smov.u32 s23  }
0x131: {  	s22 =	sadd.s32 $0x20, s22;
	[tilespmem:v0+s24+$0x0 ss:$0x1] =	vst.idx.msk $0xffff, v1  }
0x132: {  	s23 =	sadd.s32 $0x40, s23;
	v1 =	vld [tilespmem:s22+$0xFFFFFFF0]  }
0x133: {  	s20 =	sadd.s32 $0x1A0, s20  }
0x134: {  	v2 =	vld [tilespmem:s20+$0xFFFFFF30];
	_ =	sdelay $0x1  }
0x135: {  	v3 =	vld [tilespmem:s20+$0xFFFFFF40]  }
0x136: {  	v5 =	vld [tilespmem:s20+$0xFFFFFF50];
	v4 =	vbroadcast v1, $0x0;
	_ =	sdelay $0x1  }
0x137: {  	v6 =	vld [tilespmem:s20+$0xFFFFFF60];
	v47 =	vbroadcast v1, $0x1;
	v2 =	vmul.f32 v2, v4  }
0x138: {  	v7 =	vbroadcast v1, $0x2  }
0x139: {  	v48 =	vld [tilespmem:s20+$0xFFFFFF70];
	v3 =	vmul.f32 v3, v47;
	v8 =	vadd.f32 $0.0e+00, v2  }
0x13a: {  	v49 =	vbroadcast v1, $0x3;
	v5 =	vmul.f32 v5, v7  }
0x13b: {  	v9 =	vld [tilespmem:s20+$0xFFFFFF80];
	v2 =	vmul.f32 v2, v2;
	v8 =	vadd.f32 v3, v8;
	v3 =	vmul.f32 v3, v3  }
0x13c: {  	v50 =	vbroadcast v1, $0x4;
	v6 =	vmul.f32 v6, v49  }
0x13d: {  	v2 =	vadd.f32 v3, v2;
	v51 =	vadd.f32 v5, v8;
	v5 =	vmul.f32 v5, v5  }
0x13e: {  	v52 =	vld [tilespmem:s20+$0xFFFFFF90];
	v53 =	vbroadcast v1, $0x5;
	v4 =	vmul.f32 v48, v50  }
0x13f: {  	v55 =	vld [tilespmem:s20+$0xFFFFFFA0];
	v54 =	vmul.f32 v6, v6;
	v2 =	vadd.f32 v5, v2;
	v3 =	vadd.f32 v6, v51  }
0x140: {  	v56 =	vbroadcast v1, $0x6;
	v7 =	vmul.f32 v9, v53  }
0x141: {  	v57 =	vld [tilespmem:s20+$0xFFFFFFB0];
	v2 =	vadd.f32 v54, v2;
	v3 =	vadd.f32 v4, v3;
	v4 =	vmul.f32 v4, v4  }
0x142: {  	v58 =	vbroadcast v1, $0x7;
	v59 =	vmul.f32 v7, v7  }
0x143: {  	v8 =	vmul.f32 v52, v56;
	v2 =	vadd.f32 v4, v2;
	v3 =	vadd.f32 v7, v3  }
0x144: {  	v60 =	vld [tilespmem:s20+$0xFFFFFFC0];
	v61 =	vbroadcast v1, $0x8;
	v6 =	vmul.f32 v55, v58  }
0x145: {  	v63 =	vld [tilespmem:s20+$0xFFFFFFD0];
	v62 =	vmul.f32 v8, v8;
	v2 =	vadd.f32 v59, v2;
	v3 =	vadd.f32 v8, v3  }
0x146: {  	v12 =	vbroadcast v1, $0x9;
	v5 =	vmul.f32 v57, v61  }
0x147: {  	v14 =	vld [tilespmem:s20+$0xFFFFFFE0];
	v13 =	vmul.f32 v6, v6;
	v2 =	vadd.f32 v62, v2;
	v3 =	vadd.f32 v6, v3  }
0x148: {  	v15 =	vbroadcast v1, $0xA;
	v16 =	vmul.f32 v5, v5  }
0x149: {  	v17 =	vld [tilespmem:s20+$0xFFFFFFF0];
	v7 =	vmul.f32 v60, v12;
	v2 =	vadd.f32 v13, v2;
	v3 =	vadd.f32 v5, v3  }
0x14a: {  	v18 =	vbroadcast v1, $0xB;
	v8 =	vmul.f32 v63, v15  }
0x14b: {  	v20 =	vld [tilespmem:s20+$0x0];
	v19 =	vmul.f32 v7, v7;
	v2 =	vadd.f32 v16, v2;
	v3 =	vadd.f32 v7, v3  }
0x14c: {  	v21 =	vbroadcast v1, $0xC;
	v6 =	vmul.f32 v14, v18  }
0x14d: {  	v11 =	vld [tilespmem:s22+$0x0];
	v22 =	vmul.f32 v8, v8;
	v2 =	vadd.f32 v19, v2;
	v3 =	vadd.f32 v8, v3  }
0x14e: {  	v23 =	vld [tilespmem:s20+$0x10];
	v24 =	vbroadcast v1, $0xD;
	v5 =	vmul.f32 v17, v21  }
0x14f: {  	v10 =	vld [tilespmem:s20+$0x20];
	v25 =	vmul.f32 v6, v6;
	v2 =	vadd.f32 v22, v2;
	v3 =	vadd.f32 v6, v3  }
0x150: {  	v27 =	vbroadcast v1, $0xE;
	v26 =	vmul.f32 v20, v24  }
0x151: {  	v29 =	vld [tilespmem:s20+$0x30];
	v28 =	vmul.f32 v5, v5;
	v2 =	vadd.f32 v25, v2;
	v3 =	vadd.f32 v5, v3  }
0x152: {  	v30 =	vbroadcast v1, $0xF;
	v31 =	vmul.f32 v26, v26  }
0x153: {  	v32 =	vld [tilespmem:s20+$0x40];
	v7 =	vmul.f32 v23, v27;
	v2 =	vadd.f32 v28, v2;
	v3 =	vadd.f32 v26, v3  }
0x154: {  	v33 =	vbroadcast v11, $0x0;
	v1 =	vmul.f32 v10, v30  }
0x155: {  	v34 =	vmul.f32 v7, v7;
	v2 =	vadd.f32 v31, v2;
	v3 =	vadd.f32 v7, v3  }
0x156: {  	v35 =	vld [tilespmem:s20+$0x50];
	v36 =	vbroadcast v11, $0x1;
	v5 =	vmul.f32 v29, v33  }
0x157: {  	v37 =	vld [tilespmem:s20+$0x60];
	v2 =	vadd.f32 v34, v2;
	v3 =	vadd.f32 v1, v3;
	v1 =	vmul.f32 v1, v1  }
0x158: {  	v38 =	vbroadcast v11, $0x2;
	v6 =	vmul.f32 v32, v36  }
0x159: {  	v40 =	vmul.f32 v5, v5;
	v1 =	vadd.f32 v1, v2;
	v39 =	vadd.f32 v5, v3  }
0x15a: {  	v41 =	vld [tilespmem:s20+$0x70];
	v42 =	vbroadcast v11, $0x3;
	v43 =	vmul.f32 v6, v6  }
0x15b: {  	v44 =	vld [tilespmem:s20+$0x80];
	v7 =	vmul.f32 v35, v38;
	v1 =	vadd.f32 v40, v1;
	v2 =	vadd.f32 v6, v39  }
0x15c: {  	v45 =	vbroadcast v11, $0x4;
	v4 =	vmul.f32 v37, v42  }
0x15d: {  	v47 =	vld [tilespmem:s20+$0x90];
	v46 =	vmul.f32 v7, v7;
	v1 =	vadd.f32 v43, v1;
	v2 =	vadd.f32 v7, v2  }
0x15e: {  	v48 =	vbroadcast v11, $0x5;
	v49 =	vmul.f32 v4, v4  }
0x15f: {  	v50 =	vld [tilespmem:s20+$0xA0];
	v5 =	vmul.f32 v41, v45;
	v1 =	vadd.f32 v46, v1;
	v2 =	vadd.f32 v4, v2  }
0x160: {  	v51 =	vbroadcast v11, $0x6;
	v6 =	vmul.f32 v44, v48  }
0x161: {  	v53 =	vld [tilespmem:s20+$0xB0];
	v52 =	vmul.f32 v5, v5;
	v1 =	vadd.f32 v49, v1;
	v2 =	vadd.f32 v5, v2  }
0x162: {  	v54 =	vbroadcast v11, $0x7;
	v7 =	vmul.f32 v47, v51  }
0x163: {  	v56 =	vld [tilespmem:s20+$0xC0];
	v55 =	vmul.f32 v6, v6;
	v1 =	vadd.f32 v52, v1;
	v2 =	vadd.f32 v6, v2  }
0x164: {  	v57 =	vbroadcast v11, $0x8;
	v4 =	vmul.f32 v50, v54  }
0x165: {  	v58 =	vmul.f32 v7, v7;
	v1 =	vadd.f32 v55, v1;
	v2 =	vadd.f32 v7, v2  }
0x166: {  	v59 =	vbroadcast v11, $0x9;
	v5 =	vmul.f32 v53, v57  }
0x167: {  	v60 =	vmul.f32 v4, v4;
	v1 =	vadd.f32 v58, v1;
	v2 =	vadd.f32 v4, v2  }
0x168: {  	v61 =	vmul.f32 v56, v59  }
0x169: {  	v62 =	vmul.f32 v5, v5;
	v1 =	vadd.f32 v60, v1;
	v2 =	vadd.f32 v5, v2;
	_ =	sdelay $0x1  }
0x16a: {  	v63 =	vmul.f32 v61, v61;
	v1 =	vadd.f32 v62, v1;
	v2 =	vadd.f32 v61, v2;
	_ =	sdelay $0x1  }
0x16b: {  	s19 =	sadd.s32 $0x1, s19;
	v1 =	vadd.f32 v63, v1;
	v2 =	vmul.f32 v2, v2  }
0x16c: {  	p0 =	sne.s32 s19, $0x8  }
.Ltmp2:
0x16d: {  	v1 =	vsub.f32 v2, v1;
	(pc) =	sbr.rel @p0 .LBB2_2-.Ltmp2, $4  }
0x16e: {  	_ = 	snop  }
0x16f: {  	v1 =	vmul.f32 $5.000000000e-01, v1  }
0x170: {  	s24 =	sshra.s32 s21, $0x2;
	s12 =	sadd.s32 $0x680, s12  }
0x171: {  	s18 =	sadd.s32 $0x680, s18;
	s17 =	sadd.s32 $0x400, s17;
	s16 =	sadd.s32 $0x800, s16;
	[tilespmem:v0+s24+$0x0 ss:$0x1] =	vst.idx.msk $0xffff, v1  }
0x172: {  	s16 =	simm.s32 $0x0  }
0x173: {  	s12 =	rddreg [dreg:$0x7];
	s17 =	simm.s32 $0x14A80;
	s18 =	simm.s32 $0x2  }
0x174: {  	[hbm4b:s12+s16] =	stream.linear.scatter [tilespmem:s17], [sflag:$0x2], $0x2000, $0x38;
	[tilespmem:$0x19E80] =	vst v63  }
0x175: {  	_ =	swait.ge [sflag:s18], $0x2000  }
0x176: {  	[sflag:s18] =	ssyncset.done $0x0  }
0x177: {  	s22 =	simm.s32 $0x16A80;
	s21 =	rddreg [dreg:$0x8];
	[sflag:s18] =	ssyncadd.s32 $0xFFFFE000  }
0x178: {  	[hbm4b:s21+s16] =	stream.linear.scatter [tilespmem:s22], [sflag:$0x2], $0x3400, $0x38;
	[tilespmem:$0x19E80] =	vst v63  }
0x179: {  	_ =	swait.ge [sflag:s18], $0x3400  }
0x17a: {  	s23 =	rddreg [dreg:$0xa]  }
0x17b: {  	s24 =	rddreg [dreg:$0x9];
	s17 =	sadd.s32 $0x1, s23  }
0x17c: {  	p0 =	sne.s32 s17, s24  }
.Ltmp3:
0x17d: {  	_ = 	snop;
	(pc) =	sbr.rel @p0 .LBB2_1-.Ltmp3, $3  }
0x17e: {  	_ =	sdelay $0x1  }
0x17f: {  	[sflag:s18] =	ssyncset.done $0x0  }
0x180: {  	[sflag:s18] =	ssyncadd.s32 $0xFFFFCC00  }
0x181: {  	_ =	sfence.sel $0x180000  }
0x182: {  	[bflag:$0x0] =	sbarrier.arrive $0xFFFF  }
0x183: {  	_ =	strace $0x90000047  }
0x184: {  	s0 =	stileid.u32;
	[bflag:$0x2] =	sbarrier.arrive $0xFFFF  }
0x185: {  	p0 =	sne.s32 s0, $0x0;
	s0 =	rddreg [dreg:$0x2]  }
0x186: {  	s0 =	sadd.s32 @!p0 $0x100000, s0  }
0x187: {  	[sflag:s0] =	ssyncadd.tile.s32 @!p0 $0x1;
	_ =	shalt  }
.Lfunc_end2:
_tile_overlayer_lowered:
.L_overlay_start_2:
0x188: {  	(tag) =	ssettag $0x2  }
0x189: {  	s0 =	rddreg [dreg:$0x0];
	s2 =	stileid.u32  }
0x18a: {  	s1 =	rddreg [dreg:$0x1];
	p0 =	sne.s32 s2, $0x0  }
0x18b: {  	s3 =	rddreg [dreg:$0x2];
	[bflag:$0x3] =	sbarrier.arrive $0xFFFF;
	s2 =	simm.s32 @!p0 $0x1C02  }
0x18c: {  	[timem:s3], [sflag:s2] =	dma.local @!p0 [hbm:s0], s1  }
0x18d: {  	s0 =	simm.s32 @!p0 $0x2  }
0x18e: {  	_ =	swait.ge @!p0 [sflag:s0], s1  }
0x18f: {  	s1 =	ssub.s32 @!p0 $0x0, s1;
	[sflag:s0] =	ssyncset.done @!p0 $0x0  }
0x190: {  	[sflag:s0] =	ssyncadd.s32 @!p0 s1  }
0x191: {  	[bflag:$0x3] =	sbarrier.arrive $0xFFFF  }
0x192: {  	_ =	shalt  }

</sc_bundles>
